<compile_context>
chip_gen: v7x
topology: tpu7x:2x2x1
jax: 0.10.2.dev20260603
libtpu: 0.0.44.dev20260713+nightly
codegen_flags: <defaults>
</compile_context>

<pallas_src>
import functools

import jax
import jax.numpy as jnp
from jax import lax
from jax.experimental import pallas as pl
from jax.experimental.pallas import tpu as pltpu
from jax.experimental.pallas import tpu_sc as plsc

N = 10000
E = 320000
D = 128
H = 64
G = 512
EPS = 1e-5

NC = 2
NS = 16
NW = NC * NS
CHUNK = 128
NCHUNK = E // CHUNK
CPW = -(-NCHUNK // NW)
ZROWS = 1000
NZT = N // ZROWS



_sc_mesh = plsc.VectorSubcoreMesh(
    core_axis_name="c", subcore_axis_name="s", num_cores=NC, num_subcores=NS
)


def _edge_aggregate_parts(n, e_total, chunk, zrows):
    nchunk = e_total // chunk
    cpw = -(-nchunk // NW)
    nzt = n // zrows

    scratch = [
        pltpu.VMEM((chunk,), jnp.int32),
        pltpu.VMEM((chunk,), jnp.int32),
        pltpu.VMEM((chunk + 16,), jnp.float32),
        pltpu.VMEM((chunk, H), jnp.float32),
        pltpu.VMEM((zrows, H), jnp.float32),
        pltpu.VMEM_SHARED((n, H), jnp.float32),
        pltpu.SemaphoreType.DMA,
    ]
    out_type = jax.ShapeDtypeStruct((NC * n, H), jnp.float32)

    def body(h_hbm, src_hbm, dst_hbm, ew_hbm, out_hbm,
             src_v, dst_v, ew_v, rows_v, stage_v, acc_sh, sem):
        cid = lax.axis_index("c")
        sid = lax.axis_index("s")
        wid = sid * NC + cid

        def zero_row(r, _):
            for k in range(H // 16):
                stage_v[r, pl.ds(k * 16, 16)] = jnp.zeros((16,), jnp.float32)
            return 0

        lax.fori_loop(0, zrows, zero_row, 0)

        @pl.when(sid < nzt)
        def _():
            pltpu.sync_copy(stage_v, acc_sh.at[pl.ds(sid * zrows, zrows)])

        plsc.subcore_barrier()

        def chunk_body(j, _):
            c = j * NW + wid

            @pl.when(c < nchunk)
            def _():
                base = pl.multiple_of(c * chunk, chunk)
                pltpu.sync_copy(src_hbm.at[pl.ds(base, chunk)], src_v)
                pltpu.sync_copy(dst_hbm.at[pl.ds(base, chunk)], dst_v)
                pltpu.sync_copy(ew_hbm.at[pl.ds(base, chunk)],
                                ew_v.at[pl.ds(0, chunk)])
                pltpu.async_copy(h_hbm.at[src_v], rows_v, sem).wait()

                def row_body(e, _):
                    s = ew_v[pl.ds(e, 16)][0]
                    for k in range(H // 16):
                        sl = pl.ds(k * 16, 16)
                        rows_v[e, sl] = rows_v[e, sl] * s
                    return 0

                lax.fori_loop(0, chunk, row_body, 0)
                pltpu.sync_copy(rows_v, acc_sh.at[dst_v], add=True)

            return 0

        lax.fori_loop(0, cpw, chunk_body, 0)
        plsc.subcore_barrier()

        @pl.when(sid < nzt)
        def _():
            rsl = pl.ds(sid * zrows, zrows)
            pltpu.sync_copy(acc_sh.at[rsl], stage_v)
            pltpu.sync_copy(stage_v, out_hbm.at[pl.ds(cid * n + sid * zrows, zrows)])

    return body, out_type, scratch


_ea_body, _ea_out, _ea_scratch = _edge_aggregate_parts(N, E, CHUNK, ZROWS)
_edge_aggregate = pl.kernel(
    _ea_body,
    out_type=_ea_out,
    mesh=_sc_mesh,
    compiler_params=pltpu.CompilerParams(use_tc_tiling_on_sc=False),
    scratch_types=_ea_scratch,
)



def _embed_body(x_ref, wt_ref, b_ref, o_ref):
    o_ref[...] = (
        jnp.dot(x_ref[...], wt_ref[...], preferred_element_type=jnp.float32)
        + b_ref[...]
    )


def _embed(x, w_emb, b_emb):
    return pl.pallas_call(
        _embed_body,
        out_shape=jax.ShapeDtypeStruct((N, H), jnp.float32),
    )(x, w_emb.T, b_emb.reshape(1, H))


def _layer_body(parts_ref, h_ref, wrt_ref, br_ref, wot_ref, g_ref, b_ref, o_ref):
    aggr = parts_ref[0:N, :] + parts_ref[N:2 * N, :]
    t = (
        jnp.dot(aggr, wrt_ref[...], preferred_element_type=jnp.float32)
        + br_ref[...]
        + jnp.dot(h_ref[...], wot_ref[...], preferred_element_type=jnp.float32)
    )
    mean = jnp.mean(t, axis=0, keepdims=True)
    var = jnp.mean((t - mean) * (t - mean), axis=0, keepdims=True)
    bn = g_ref[...] * (t - mean) * lax.rsqrt(var + EPS) + b_ref[...]
    o_ref[...] = jnp.maximum(bn, 0.0)


def _layer(parts, h, w_rel, b_rel, w_root, g, b):
    return pl.pallas_call(
        _layer_body,
        out_shape=jax.ShapeDtypeStruct((N, H), jnp.float32),
    )(parts, h, w_rel.T, b_rel.reshape(1, H), w_root.T,
      g.reshape(1, H), b.reshape(1, H))


_PBLK = 1000


def _pool_mlp_body(h_ref, batch_ref, w1t_ref, b1_ref, w2t_ref, b2_ref,
                   w3t_ref, b3_ref, o_ref):
    iota_g = lax.broadcasted_iota(jnp.int32, (G, _PBLK), 0)

    def blk(i, carry):
        acc, cnt = carry
        ids = batch_ref[i, :]
        onehot = (ids[None, :] == iota_g).astype(jnp.float32)
        hb = h_ref[pl.ds(i * _PBLK, _PBLK), :]
        acc = acc + jnp.dot(onehot, hb, preferred_element_type=jnp.float32)
        cnt = cnt + jnp.sum(onehot, axis=1, keepdims=True)
        return acc, cnt

    acc, cnt = lax.fori_loop(
        0, N // _PBLK, blk,
        (jnp.zeros((G, H), jnp.float32), jnp.zeros((G, 1), jnp.float32)),
    )
    gx = acc / jnp.maximum(cnt, 1.0)
    hh = jnp.maximum(
        jnp.dot(gx, w1t_ref[...], preferred_element_type=jnp.float32)
        + b1_ref[...], 0.0)
    hh = jnp.maximum(
        jnp.dot(hh, w2t_ref[...], preferred_element_type=jnp.float32)
        + b2_ref[...], 0.0)
    logits = (
        jnp.dot(hh, w3t_ref[...], preferred_element_type=jnp.float32)
        + b3_ref[...]
    )
    o_ref[...] = (logits > 0).astype(jnp.float32)


def _pool_mlp(h, batch, mlp_w1, mlp_b1, mlp_w2, mlp_b2, mlp_w3, mlp_b3):
    return pl.pallas_call(
        _pool_mlp_body,
        out_shape=jax.ShapeDtypeStruct((G, 1), jnp.float32),
    )(h, batch.reshape(N // _PBLK, _PBLK), mlp_w1.T, mlp_b1.reshape(1, 2 * H),
      mlp_w2.T, mlp_b2.reshape(1, H), mlp_w3.T, mlp_b3.reshape(1, 1))



def kernel(x, edge_index, edge_attr, batch, w_emb, b_emb,
           c0_w_rel, c0_b_rel, c0_w_root, bn0_g, bn0_b,
           c1_w_rel, c1_b_rel, c1_w_root, bn1_g, bn1_b,
           c2_w_rel, c2_b_rel, c2_w_root, bn2_g, bn2_b,
           mlp_w1, mlp_b1, mlp_w2, mlp_b2, mlp_w3, mlp_b3):
    src = edge_index[0]
    dst = edge_index[1]
    ew = edge_attr.reshape(-1)

    h = _embed(x, w_emb, b_emb)
    layers = [(c0_w_rel, c0_b_rel, c0_w_root, bn0_g, bn0_b),
              (c1_w_rel, c1_b_rel, c1_w_root, bn1_g, bn1_b),
              (c2_w_rel, c2_b_rel, c2_w_root, bn2_g, bn2_b)]
    for wr, br, wro, g, b in layers:
        parts = _edge_aggregate(h, src, dst, ew)
        h = _layer(parts, h, wr, br, wro, g, b)

    return _pool_mlp(h, batch, mlp_w1, mlp_b1, mlp_w2, mlp_b2, mlp_w3, mlp_b3)

# --- scband reference (transcript-rebuilt; emitter-appended) ---
"""Pipeline reference for scband-predictor-87600152969436 (READ-ONLY COPY).

The authoritative reference and input builder live on the scoring server;
editing this copy changes nothing except your own understanding.
"""

import jax, jax.numpy as jnp
import numpy as np

N = 10000
E = 320000
D = 128
H = 64
G = 512
EPS = 1e-5


def _bn(x, gamma, beta):
    mean = jnp.mean(x, axis=0, keepdims=True)
    var = jnp.var(x, axis=0, keepdims=True)
    return gamma * (x - mean) * jax.lax.rsqrt(var + EPS) + beta


def _graph_conv(x, src, dst, ew, w_rel, b_rel, w_root):
    # PyG GraphConv: out = lin_rel(sum_{j in N(i)} e_ji * x_j) + lin_root(x_i)
    msgs = x[src] * ew[:, None]
    aggr = jax.ops.segment_sum(msgs, dst, num_segments=x.shape[0])
    return aggr @ w_rel.T + b_rel + x @ w_root.T


def setup_inputs(seed: int = 0):
    key = jax.random.key(seed)
    ks = jax.random.split(key, 16)

    def nrm(i, shape, s=0.05):
        return jax.random.normal(ks[i], shape, dtype=jnp.float32) * s

    inp = {}
    inp["x"] = jax.random.normal(ks[0], (N, D), dtype=jnp.float32)
    inp["edge_index"] = jax.random.randint(ks[1], (2, E), 0, N, dtype=jnp.int32)
    inp["edge_attr"] = jax.random.uniform(ks[2], (E, 1), dtype=jnp.float32)
    inp["batch"] = jnp.sort(jax.random.randint(ks[3], (N,), 0, G, dtype=jnp.int32))
    inp["w_emb"] = nrm(4, (H, D))
    inp["b_emb"] = jnp.zeros((H,), jnp.float32)
    k = 5
    for i in range(3):
        inp["c%d_w_rel" % i] = nrm(k, (H, H)); k += 1
        inp["c%d_b_rel" % i] = jnp.zeros((H,), jnp.float32)
        inp["c%d_w_root" % i] = nrm(k, (H, H)); k += 1
        inp["bn%d_g" % i] = jnp.ones((H,), jnp.float32)
        inp["bn%d_b" % i] = jnp.zeros((H,), jnp.float32)
    inp["mlp_w1"] = nrm(11, (2 * H, H))
    inp["mlp_b1"] = jnp.zeros((2 * H,), jnp.float32)
    inp["mlp_w2"] = nrm(12, (H, 2 * H))
    inp["mlp_b2"] = jnp.zeros((H,), jnp.float32)
    inp["mlp_w3"] = nrm(13, (1, H))
    inp["mlp_b3"] = jnp.zeros((1,), jnp.float32)
    return inp


def _logits(x, edge_index, edge_attr, batch, w_emb, b_emb,
            c0_w_rel, c0_b_rel, c0_w_root, bn0_g, bn0_b,
            c1_w_rel, c1_b_rel, c1_w_root, bn1_g, bn1_b,
            c2_w_rel, c2_b_rel, c2_w_root, bn2_g, bn2_b,
            mlp_w1, mlp_b1, mlp_w2, mlp_b2, mlp_w3, mlp_b3):
    ew = edge_attr.reshape(-1)
    src = edge_index[0]
    dst = edge_index[1]
    # node_emb (x.size(1) != hid_channels)
    h = x @ w_emb.T + b_emb
    layers = [(c0_w_rel, c0_b_rel, c0_w_root, bn0_g, bn0_b),
              (c1_w_rel, c1_b_rel, c1_w_root, bn1_g, bn1_b),
              (c2_w_rel, c2_b_rel, c2_w_root, bn2_g, bn2_b)]
    for wr, br, wro, g, b in layers:
        h = _graph_conv(h, src, dst, ew, wr, br, wro)
        h = jax.nn.relu(_bn(h, g, b))
    # global_mean_pool
    sums = jax.ops.segment_sum(h, batch, num_segments=G)
    cnt = jax.ops.segment_sum(jnp.ones((h.shape[0],), jnp.float32), batch, num_segments=G)
    graph_x = sums / jnp.clip(cnt, 1.0)[:, None]
    # causal_mlp (dropout is identity in eval)
    hh = jax.nn.relu(graph_x @ mlp_w1.T + mlp_b1)
    hh = jax.nn.relu(hh @ mlp_w2.T + mlp_b2)
    return hh @ mlp_w3.T + mlp_b3


def reference(x, edge_index, edge_attr, batch, w_emb, b_emb,
              c0_w_rel, c0_b_rel, c0_w_root, bn0_g, bn0_b,
              c1_w_rel, c1_b_rel, c1_w_root, bn1_g, bn1_b,
              c2_w_rel, c2_b_rel, c2_w_root, bn2_g, bn2_b,
              mlp_w1, mlp_b1, mlp_w2, mlp_b2, mlp_w3, mlp_b3):
    logits = _logits(x=x, edge_index=edge_index, edge_attr=edge_attr, batch=batch,
                     w_emb=w_emb, b_emb=b_emb,
                     c0_w_rel=c0_w_rel, c0_b_rel=c0_b_rel, c0_w_root=c0_w_root,
                     bn0_g=bn0_g, bn0_b=bn0_b,
                     c1_w_rel=c1_w_rel, c1_b_rel=c1_b_rel, c1_w_root=c1_w_root,
                     bn1_g=bn1_g, bn1_b=bn1_b,
                     c2_w_rel=c2_w_rel, c2_b_rel=c2_b_rel, c2_w_root=c2_w_root,
                     bn2_g=bn2_g, bn2_b=bn2_b,
                     mlp_w1=mlp_w1, mlp_b1=mlp_b1, mlp_w2=mlp_w2, mlp_b2=mlp_b2,
                     mlp_w3=mlp_w3, mlp_b3=mlp_b3)
    return (logits > 0).astype(jnp.float32)

if __name__ == "__main__":
    import jax
    _d = setup_inputs()
    print(jax.jit(kernel)(*tuple(_d.values())))

</pallas_src>

<mosaic_0001>
#map = affine_map<(d0, d1) -> (0, 0)>
#map1 = affine_map<(d0, d1) -> (0)>
module attributes {stable_mosaic.version = 14 : i64} {
  func.func @body(%arg0: i32, %arg1: i32, %arg2: memref<10000x64xf32, #tpu.memory_space<hbm>>, %arg3: memref<320000xi32, #tpu.memory_space<hbm>>, %arg4: memref<320000xi32, #tpu.memory_space<hbm>>, %arg5: memref<320000xf32, #tpu.memory_space<hbm>>, %arg6: memref<20000x64xf32, #tpu.memory_space<hbm>>, %arg7: memref<128xi32, #tpu.memory_space<vmem>>, %arg8: memref<128xi32, #tpu.memory_space<vmem>>, %arg9: memref<144xf32, #tpu.memory_space<vmem>>, %arg10: memref<128x64xf32, #tpu.memory_space<vmem>>, %arg11: memref<1000x64xf32, #tpu.memory_space<vmem>>, %arg12: memref<10000x64xf32, #tpu.memory_space<vmem_shared>>, %arg13: memref<!tpu.dma_semaphore, #tpu.memory_space<semaphore_mem>>) attributes {dimension_semantics = [#tpu.dimension_semantics<core_parallel>, #tpu.dimension_semantics<subcore_parallel>], iteration_bounds = array<i64: 2, 16>, scalar_prefetch = 0 : i64, scratch_operands = 7 : i64, tpu.core_type = #tpu.core_type<sc_vector_subcore>, window_params = [{transform_indices = #map}, {transform_indices = #map1}, {transform_indices = #map1}, {transform_indices = #map1}, {transform_indices = #map}]} {
    %mul3A = arith.constant 2 : i32
    %mul3A_0 = arith.muli %arg1, %mul3A : i32
    %add3A = arith.addi %mul3A_0, %arg0 : i32
    %scan3A = arith.constant 0 : i32
    %scan3A_1 = arith.constant 0 : i32
    %scan3A_2 = arith.constant 1000 : i32
    %scan3A_3 = arith.addi %scan3A_1, %scan3A_2 : i32
    %scan3A_4 = arith.constant 1 : i32
    %scan3A_5 = scf.for %scan3A_22 = %scan3A_1 to %scan3A_3 step %scan3A_4 iter_args(%scan3A_23 = %scan3A) -> (i32)  : i32 {
      %broadcast_in_dim3A = arith.constant 0.000000e+00 : f32
      %broadcast_in_dim3A_24 = vector.broadcast %broadcast_in_dim3A : f32 to vector<16xf32>
      %swap3A = arith.index_cast %scan3A_22 : i32 to index
      %swap3A_25 = arith.constant 0 : index
      %swap3A_26 = tpu.vector_load %arg11[%swap3A, %swap3A_25] {strides = array<i32>} : memref<1000x64xf32, #tpu.memory_space<vmem>>, vector<1x16xf32>,
      %swap3A_27 = vector.shape_cast %swap3A_26 : vector<1x16xf32> to vector<16xf32>
      %swap3A_28 = vector.shape_cast %broadcast_in_dim3A_24 : vector<16xf32> to vector<1x16xf32>
      tpu.vector_store %arg11[%swap3A, %swap3A_25], %swap3A_28 {strides = array<i32>} : memref<1000x64xf32, #tpu.memory_space<vmem>>, vector<1x16xf32>,
      %broadcast_in_dim3A_29 = arith.constant 0.000000e+00 : f32
      %broadcast_in_dim3A_30 = vector.broadcast %broadcast_in_dim3A_29 : f32 to vector<16xf32>
      %swap3A_31 = arith.index_cast %scan3A_22 : i32 to index
      %swap3A_32 = arith.constant 16 : index
      %swap3A_33 = tpu.vector_load %arg11[%swap3A_31, %swap3A_32] {strides = array<i32>} : memref<1000x64xf32, #tpu.memory_space<vmem>>, vector<1x16xf32>,
      %swap3A_34 = vector.shape_cast %swap3A_33 : vector<1x16xf32> to vector<16xf32>
      %swap3A_35 = vector.shape_cast %broadcast_in_dim3A_30 : vector<16xf32> to vector<1x16xf32>
      tpu.vector_store %arg11[%swap3A_31, %swap3A_32], %swap3A_35 {strides = array<i32>} : memref<1000x64xf32, #tpu.memory_space<vmem>>, vector<1x16xf32>,
      %broadcast_in_dim3A_36 = arith.constant 0.000000e+00 : f32
      %broadcast_in_dim3A_37 = vector.broadcast %broadcast_in_dim3A_36 : f32 to vector<16xf32>
      %swap3A_38 = arith.index_cast %scan3A_22 : i32 to index
      %swap3A_39 = arith.constant 32 : index
      %swap3A_40 = tpu.vector_load %arg11[%swap3A_38, %swap3A_39] {strides = array<i32>} : memref<1000x64xf32, #tpu.memory_space<vmem>>, vector<1x16xf32>,
      %swap3A_41 = vector.shape_cast %swap3A_40 : vector<1x16xf32> to vector<16xf32>
      %swap3A_42 = vector.shape_cast %broadcast_in_dim3A_37 : vector<16xf32> to vector<1x16xf32>
      tpu.vector_store %arg11[%swap3A_38, %swap3A_39], %swap3A_42 {strides = array<i32>} : memref<1000x64xf32, #tpu.memory_space<vmem>>, vector<1x16xf32>,
      %broadcast_in_dim3A_43 = arith.constant 0.000000e+00 : f32
      %broadcast_in_dim3A_44 = vector.broadcast %broadcast_in_dim3A_43 : f32 to vector<16xf32>
      %swap3A_45 = arith.index_cast %scan3A_22 : i32 to index
      %swap3A_46 = arith.constant 48 : index
      %swap3A_47 = tpu.vector_load %arg11[%swap3A_45, %swap3A_46] {strides = array<i32>} : memref<1000x64xf32, #tpu.memory_space<vmem>>, vector<1x16xf32>,
      %swap3A_48 = vector.shape_cast %swap3A_47 : vector<1x16xf32> to vector<16xf32>
      %swap3A_49 = vector.shape_cast %broadcast_in_dim3A_44 : vector<16xf32> to vector<1x16xf32>
      tpu.vector_store %arg11[%swap3A_45, %swap3A_46], %swap3A_49 {strides = array<i32>} : memref<1000x64xf32, #tpu.memory_space<vmem>>, vector<1x16xf32>,
      %scan3A_50 = arith.constant 0 : i32
      scf.yield %scan3A_50 : i32
    }
    %scan3A_6 = arith.constant 1000 : i32
    %lt3A = arith.constant 10 : i32
    %lt3A_7 = arith.cmpi slt, %arg1, %lt3A : i32
    %convert_element_type3A = arith.extui %lt3A_7 : i1 to i32
    %cond3A = arith.constant 0 : i32
    %cond3A_8 = arith.cmpi ne, %convert_element_type3A, %cond3A : i32
    scf.if %cond3A_8 {
      %mul3A_22 = arith.constant 1000 : i32
      %mul3A_23 = arith.muli %arg1, %mul3A_22 : i32
      "tpu.region"() ({
        %run_scoped3A = tpu.sem_alloc : memref<!tpu.dma_semaphore, #tpu.memory_space<semaphore_mem>>
        %dma_start3A = arith.constant 0 : i32
        %dma_start3A_24 = tpu.memref_slice %arg12[%mul3A_23, %dma_start3A] : memref<10000x64xf32, #tpu.memory_space<vmem_shared>> -> memref<1000x64xf32, #tpu.memory_space<vmem_shared>>
        %dma_start3A_25 = arith.constant 0 : i32
        %dma_start3A_26 = tpu.memref_slice %arg12[%mul3A_23, %dma_start3A_25] : memref<10000x64xf32, #tpu.memory_space<vmem_shared>> -> memref<1000x64xf32, #tpu.memory_space<vmem_shared>>
        tpu.enqueue_dma source(%arg11 : memref<1000x64xf32, #tpu.memory_space<vmem>>) target(%dma_start3A_26 : memref<1000x64xf32, #tpu.memory_space<vmem_shared>>) target_semaphore(%run_scoped3A : memref<!tpu.dma_semaphore, #tpu.memory_space<semaphore_mem>>)
        %dma_wait3A = arith.constant 0 : i32
        %dma_wait3A_27 = tpu.memref_slice %arg12[%mul3A_23, %dma_wait3A] : memref<10000x64xf32, #tpu.memory_space<vmem_shared>> -> memref<1000x64xf32, #tpu.memory_space<vmem_shared>>
        %dma_wait3A_28 = arith.constant 0 : i32
        %dma_wait3A_29 = tpu.memref_slice %arg12[%mul3A_23, %dma_wait3A_28] : memref<10000x64xf32, #tpu.memory_space<vmem_shared>> -> memref<1000x64xf32, #tpu.memory_space<vmem_shared>>
        tpu.wait_dma2 semaphore(%run_scoped3A : memref<!tpu.dma_semaphore, #tpu.memory_space<semaphore_mem>>) src(%arg11 : memref<1000x64xf32, #tpu.memory_space<vmem>>) dst(%dma_wait3A_29 : memref<1000x64xf32, #tpu.memory_space<vmem_shared>>)
        tpu.yield
      }) : () -> ()
    } else {
    }
    %barrier3A = arith.constant 0 : index
    tpu.barrier barrier_id(%barrier3A)
    %scan3A_9 = arith.constant 0 : i32
    %scan3A_10 = arith.constant 0 : i32
    %scan3A_11 = arith.constant 79 : i32
    %scan3A_12 = arith.addi %scan3A_10, %scan3A_11 : i32
    %scan3A_13 = arith.constant 1 : i32
    %scan3A_14 = scf.for %scan3A_22 = %scan3A_10 to %scan3A_12 step %scan3A_13 iter_args(%scan3A_23 = %scan3A_9) -> (i32)  : i32 {
      %mul3A_24 = arith.constant 32 : i32
      %mul3A_25 = arith.muli %scan3A_22, %mul3A_24 : i32
      %add3A_26 = arith.addi %mul3A_25, %add3A : i32
      %lt3A_27 = arith.constant 2500 : i32
      %lt3A_28 = arith.cmpi slt, %add3A_26, %lt3A_27 : i32
      %convert_element_type3A_29 = arith.extui %lt3A_28 : i1 to i32
      %cond3A_30 = arith.constant 0 : i32
      %cond3A_31 = arith.cmpi ne, %convert_element_type3A_29, %cond3A_30 : i32
      scf.if %cond3A_31 {
        %mul3A_33 = arith.constant 128 : i32
        %mul3A_34 = arith.muli %add3A_26, %mul3A_33 : i32
        %multiple_of3A = tpu.assume_multiple %mul3A_34, 128 : i32
        "tpu.region"() ({
          %run_scoped3A = tpu.sem_alloc : memref<!tpu.dma_semaphore, #tpu.memory_space<semaphore_mem>>
          %dma_start3A_46 = tpu.memref_slice %arg3[%multiple_of3A] : memref<320000xi32, #tpu.memory_space<hbm>> -> memref<128xi32, #tpu.memory_space<hbm>>
          %dma_start3A_47 = tpu.memref_slice %arg3[%multiple_of3A] : memref<320000xi32, #tpu.memory_space<hbm>> -> memref<128xi32, #tpu.memory_space<hbm>>
          tpu.enqueue_dma source(%dma_start3A_47 : memref<128xi32, #tpu.memory_space<hbm>>) target(%arg7 : memref<128xi32, #tpu.memory_space<vmem>>) target_semaphore(%run_scoped3A : memref<!tpu.dma_semaphore, #tpu.memory_space<semaphore_mem>>)
          %dma_wait3A_48 = tpu.memref_slice %arg3[%multiple_of3A] : memref<320000xi32, #tpu.memory_space<hbm>> -> memref<128xi32, #tpu.memory_space<hbm>>
          %dma_wait3A_49 = tpu.memref_slice %arg3[%multiple_of3A] : memref<320000xi32, #tpu.memory_space<hbm>> -> memref<128xi32, #tpu.memory_space<hbm>>
          tpu.wait_dma2 semaphore(%run_scoped3A : memref<!tpu.dma_semaphore, #tpu.memory_space<semaphore_mem>>) src(%dma_wait3A_49 : memref<128xi32, #tpu.memory_space<hbm>>) dst(%arg7 : memref<128xi32, #tpu.memory_space<vmem>>)
          tpu.yield
        }) : () -> ()
        "tpu.region"() ({
          %run_scoped3A = tpu.sem_alloc : memref<!tpu.dma_semaphore, #tpu.memory_space<semaphore_mem>>
          %dma_start3A_46 = tpu.memref_slice %arg4[%multiple_of3A] : memref<320000xi32, #tpu.memory_space<hbm>> -> memref<128xi32, #tpu.memory_space<hbm>>
          %dma_start3A_47 = tpu.memref_slice %arg4[%multiple_of3A] : memref<320000xi32, #tpu.memory_space<hbm>> -> memref<128xi32, #tpu.memory_space<hbm>>
          tpu.enqueue_dma source(%dma_start3A_47 : memref<128xi32, #tpu.memory_space<hbm>>) target(%arg8 : memref<128xi32, #tpu.memory_space<vmem>>) target_semaphore(%run_scoped3A : memref<!tpu.dma_semaphore, #tpu.memory_space<semaphore_mem>>)
          %dma_wait3A_48 = tpu.memref_slice %arg4[%multiple_of3A] : memref<320000xi32, #tpu.memory_space<hbm>> -> memref<128xi32, #tpu.memory_space<hbm>>
          %dma_wait3A_49 = tpu.memref_slice %arg4[%multiple_of3A] : memref<320000xi32, #tpu.memory_space<hbm>> -> memref<128xi32, #tpu.memory_space<hbm>>
          tpu.wait_dma2 semaphore(%run_scoped3A : memref<!tpu.dma_semaphore, #tpu.memory_space<semaphore_mem>>) src(%dma_wait3A_49 : memref<128xi32, #tpu.memory_space<hbm>>) dst(%arg8 : memref<128xi32, #tpu.memory_space<vmem>>)
          tpu.yield
        }) : () -> ()
        "tpu.region"() ({
          %run_scoped3A = tpu.sem_alloc : memref<!tpu.dma_semaphore, #tpu.memory_space<semaphore_mem>>
          %dma_start3A_46 = arith.constant 0 : i32
          %dma_start3A_47 = tpu.memref_slice %arg9[%dma_start3A_46] : memref<144xf32, #tpu.memory_space<vmem>> -> memref<128xf32, #tpu.memory_space<vmem>>
          %dma_start3A_48 = tpu.memref_slice %arg5[%multiple_of3A] : memref<320000xf32, #tpu.memory_space<hbm>> -> memref<128xf32, #tpu.memory_space<hbm>>
          %dma_start3A_49 = arith.constant 0 : i32
          %dma_start3A_50 = tpu.memref_slice %arg9[%dma_start3A_49] : memref<144xf32, #tpu.memory_space<vmem>> -> memref<128xf32, #tpu.memory_space<vmem>>
          %dma_start3A_51 = tpu.memref_slice %arg5[%multiple_of3A] : memref<320000xf32, #tpu.memory_space<hbm>> -> memref<128xf32, #tpu.memory_space<hbm>>
          tpu.enqueue_dma source(%dma_start3A_51 : memref<128xf32, #tpu.memory_space<hbm>>) target(%dma_start3A_50 : memref<128xf32, #tpu.memory_space<vmem>>) target_semaphore(%run_scoped3A : memref<!tpu.dma_semaphore, #tpu.memory_space<semaphore_mem>>)
          %dma_wait3A_52 = arith.constant 0 : i32
          %dma_wait3A_53 = tpu.memref_slice %arg9[%dma_wait3A_52] : memref<144xf32, #tpu.memory_space<vmem>> -> memref<128xf32, #tpu.memory_space<vmem>>
          %dma_wait3A_54 = tpu.memref_slice %arg5[%multiple_of3A] : memref<320000xf32, #tpu.memory_space<hbm>> -> memref<128xf32, #tpu.memory_space<hbm>>
          %dma_wait3A_55 = arith.constant 0 : i32
          %dma_wait3A_56 = tpu.memref_slice %arg9[%dma_wait3A_55] : memref<144xf32, #tpu.memory_space<vmem>> -> memref<128xf32, #tpu.memory_space<vmem>>
          %dma_wait3A_57 = tpu.memref_slice %arg5[%multiple_of3A] : memref<320000xf32, #tpu.memory_space<hbm>> -> memref<128xf32, #tpu.memory_space<hbm>>
          tpu.wait_dma2 semaphore(%run_scoped3A : memref<!tpu.dma_semaphore, #tpu.memory_space<semaphore_mem>>) src(%dma_wait3A_57 : memref<128xf32, #tpu.memory_space<hbm>>) dst(%dma_wait3A_56 : memref<128xf32, #tpu.memory_space<vmem>>)
          tpu.yield
        }) : () -> ()
        %dma_start3A = arith.constant 0 : i32
        %dma_start3A_35 = arith.constant 0 : i32
        %dma_start3A_36 = tpu.memref_slice %arg2[%dma_start3A, %dma_start3A_35] : memref<10000x64xf32, #tpu.memory_space<hbm>> -> memref<10000x64xf32, #tpu.memory_space<hbm>>
        tpu.enqueue_indirect_dma source(%dma_start3A_36 : memref<10000x64xf32, #tpu.memory_space<hbm>>) target(%arg10 : memref<128x64xf32, #tpu.memory_space<vmem>>) offsets(%arg7 : memref<128xi32, #tpu.memory_space<vmem>>) semaphore(%arg13 : memref<!tpu.dma_semaphore, #tpu.memory_space<semaphore_mem>>)
        %dma_wait3A = arith.constant 0 : i32
        %dma_wait3A_37 = arith.constant 0 : i32
        %dma_wait3A_38 = tpu.memref_slice %arg2[%dma_wait3A, %dma_wait3A_37] : memref<10000x64xf32, #tpu.memory_space<hbm>> -> memref<10000x64xf32, #tpu.memory_space<hbm>>
        tpu.wait_indirect_dma semaphore(%arg13 : memref<!tpu.dma_semaphore, #tpu.memory_space<semaphore_mem>>) src(%dma_wait3A_38 : memref<10000x64xf32, #tpu.memory_space<hbm>>) dst(%arg10 : memref<128x64xf32, #tpu.memory_space<vmem>>)
        %scan3A_39 = arith.constant 0 : i32
        %scan3A_40 = arith.constant 0 : i32
        %scan3A_41 = arith.constant 128 : i32
        %scan3A_42 = arith.addi %scan3A_40, %scan3A_41 : i32
        %scan3A_43 = arith.constant 1 : i32
        %scan3A_44 = scf.for %scan3A_46 = %scan3A_40 to %scan3A_42 step %scan3A_43 iter_args(%scan3A_47 = %scan3A_39) -> (i32)  : i32 {
          %get3A = arith.index_cast %scan3A_46 : i32 to index
          %get3A_48 = tpu.vector_load %arg9[%get3A] {strides = array<i32>} : memref<144xf32, #tpu.memory_space<vmem>>, vector<16xf32>,
          %get3A_49 = vector.shape_cast %get3A_48 : vector<16xf32> to vector<16xf32>
          %slice3A = vector.extract_strided_slice %get3A_49 {offsets = [0], sizes = [1], strides = [1]} : vector<16xf32> to vector<1xf32>
          %squeeze3A = vector.extract %slice3A[0] : f32 from vector<1xf32>
          %get3A_50 = arith.index_cast %scan3A_46 : i32 to index
          %get3A_51 = arith.constant 0 : index
          %get3A_52 = tpu.vector_load %arg10[%get3A_50, %get3A_51] {strides = array<i32>} : memref<128x64xf32, #tpu.memory_space<vmem>>, vector<1x16xf32>,
          %get3A_53 = vector.shape_cast %get3A_52 : vector<1x16xf32> to vector<16xf32>
          %mul3A_54 = vector.broadcast %squeeze3A : f32 to vector<16xf32>
          %mul3A_55 = arith.mulf %get3A_53, %mul3A_54 : vector<16xf32>
          %swap3A = arith.index_cast %scan3A_46 : i32 to index
          %swap3A_56 = arith.constant 0 : index
          %swap3A_57 = tpu.vector_load %arg10[%swap3A, %swap3A_56] {strides = array<i32>} : memref<128x64xf32, #tpu.memory_space<vmem>>, vector<1x16xf32>,
          %swap3A_58 = vector.shape_cast %swap3A_57 : vector<1x16xf32> to vector<16xf32>
          %swap3A_59 = vector.shape_cast %mul3A_55 : vector<16xf32> to vector<1x16xf32>
          tpu.vector_store %arg10[%swap3A, %swap3A_56], %swap3A_59 {strides = array<i32>} : memref<128x64xf32, #tpu.memory_space<vmem>>, vector<1x16xf32>,
          %get3A_60 = arith.index_cast %scan3A_46 : i32 to index
          %get3A_61 = arith.constant 16 : index
          %get3A_62 = tpu.vector_load %arg10[%get3A_60, %get3A_61] {strides = array<i32>} : memref<128x64xf32, #tpu.memory_space<vmem>>, vector<1x16xf32>,
          %get3A_63 = vector.shape_cast %get3A_62 : vector<1x16xf32> to vector<16xf32>
          %mul3A_64 = vector.broadcast %squeeze3A : f32 to vector<16xf32>
          %mul3A_65 = arith.mulf %get3A_63, %mul3A_64 : vector<16xf32>
          %swap3A_66 = arith.index_cast %scan3A_46 : i32 to index
          %swap3A_67 = arith.constant 16 : index
          %swap3A_68 = tpu.vector_load %arg10[%swap3A_66, %swap3A_67] {strides = array<i32>} : memref<128x64xf32, #tpu.memory_space<vmem>>, vector<1x16xf32>,
          %swap3A_69 = vector.shape_cast %swap3A_68 : vector<1x16xf32> to vector<16xf32>
          %swap3A_70 = vector.shape_cast %mul3A_65 : vector<16xf32> to vector<1x16xf32>
          tpu.vector_store %arg10[%swap3A_66, %swap3A_67], %swap3A_70 {strides = array<i32>} : memref<128x64xf32, #tpu.memory_space<vmem>>, vector<1x16xf32>,
          %get3A_71 = arith.index_cast %scan3A_46 : i32 to index
          %get3A_72 = arith.constant 32 : index
          %get3A_73 = tpu.vector_load %arg10[%get3A_71, %get3A_72] {strides = array<i32>} : memref<128x64xf32, #tpu.memory_space<vmem>>, vector<1x16xf32>,
          %get3A_74 = vector.shape_cast %get3A_73 : vector<1x16xf32> to vector<16xf32>
          %mul3A_75 = vector.broadcast %squeeze3A : f32 to vector<16xf32>
          %mul3A_76 = arith.mulf %get3A_74, %mul3A_75 : vector<16xf32>
          %swap3A_77 = arith.index_cast %scan3A_46 : i32 to index
          %swap3A_78 = arith.constant 32 : index
          %swap3A_79 = tpu.vector_load %arg10[%swap3A_77, %swap3A_78] {strides = array<i32>} : memref<128x64xf32, #tpu.memory_space<vmem>>, vector<1x16xf32>,
          %swap3A_80 = vector.shape_cast %swap3A_79 : vector<1x16xf32> to vector<16xf32>
          %swap3A_81 = vector.shape_cast %mul3A_76 : vector<16xf32> to vector<1x16xf32>
          tpu.vector_store %arg10[%swap3A_77, %swap3A_78], %swap3A_81 {strides = array<i32>} : memref<128x64xf32, #tpu.memory_space<vmem>>, vector<1x16xf32>,
          %get3A_82 = arith.index_cast %scan3A_46 : i32 to index
          %get3A_83 = arith.constant 48 : index
          %get3A_84 = tpu.vector_load %arg10[%get3A_82, %get3A_83] {strides = array<i32>} : memref<128x64xf32, #tpu.memory_space<vmem>>, vector<1x16xf32>,
          %get3A_85 = vector.shape_cast %get3A_84 : vector<1x16xf32> to vector<16xf32>
          %mul3A_86 = vector.broadcast %squeeze3A : f32 to vector<16xf32>
          %mul3A_87 = arith.mulf %get3A_85, %mul3A_86 : vector<16xf32>
          %swap3A_88 = arith.index_cast %scan3A_46 : i32 to index
          %swap3A_89 = arith.constant 48 : index
          %swap3A_90 = tpu.vector_load %arg10[%swap3A_88, %swap3A_89] {strides = array<i32>} : memref<128x64xf32, #tpu.memory_space<vmem>>, vector<1x16xf32>,
          %swap3A_91 = vector.shape_cast %swap3A_90 : vector<1x16xf32> to vector<16xf32>
          %swap3A_92 = vector.shape_cast %mul3A_87 : vector<16xf32> to vector<1x16xf32>
          tpu.vector_store %arg10[%swap3A_88, %swap3A_89], %swap3A_92 {strides = array<i32>} : memref<128x64xf32, #tpu.memory_space<vmem>>, vector<1x16xf32>,
          %scan3A_93 = arith.constant 0 : i32
          scf.yield %scan3A_93 : i32
        }
        %scan3A_45 = arith.constant 128 : i32
        "tpu.region"() ({
          %run_scoped3A = tpu.sem_alloc : memref<!tpu.dma_semaphore, #tpu.memory_space<semaphore_mem>>
          %dma_start3A_46 = arith.constant 0 : i32
          %dma_start3A_47 = arith.constant 0 : i32
          %dma_start3A_48 = tpu.memref_slice %arg12[%dma_start3A_46, %dma_start3A_47] : memref<10000x64xf32, #tpu.memory_space<vmem_shared>> -> memref<10000x64xf32, #tpu.memory_space<vmem_shared>>
          tpu.enqueue_indirect_dma source(%arg10 : memref<128x64xf32, #tpu.memory_space<vmem>>) target(%dma_start3A_48 : memref<10000x64xf32, #tpu.memory_space<vmem_shared>>) offsets(%arg8 : memref<128xi32, #tpu.memory_space<vmem>>) semaphore(%run_scoped3A : memref<!tpu.dma_semaphore, #tpu.memory_space<semaphore_mem>>) {add = true}
          %dma_wait3A_49 = arith.constant 0 : i32
          %dma_wait3A_50 = arith.constant 0 : i32
          %dma_wait3A_51 = tpu.memref_slice %arg12[%dma_wait3A_49, %dma_wait3A_50] : memref<10000x64xf32, #tpu.memory_space<vmem_shared>> -> memref<10000x64xf32, #tpu.memory_space<vmem_shared>>
          tpu.wait_indirect_dma semaphore(%run_scoped3A : memref<!tpu.dma_semaphore, #tpu.memory_space<semaphore_mem>>) src(%arg10 : memref<128x64xf32, #tpu.memory_space<vmem>>) dst(%dma_wait3A_51 : memref<10000x64xf32, #tpu.memory_space<vmem_shared>>)
          tpu.yield
        }) : () -> ()
      } else {
      }
      %scan3A_32 = arith.constant 0 : i32
      scf.yield %scan3A_32 : i32
    }
    %scan3A_15 = arith.constant 79 : i32
    %barrier3A_16 = arith.constant 0 : index
    tpu.barrier barrier_id(%barrier3A_16)
    %lt3A_17 = arith.constant 10 : i32
    %lt3A_18 = arith.cmpi slt, %arg1, %lt3A_17 : i32
    %convert_element_type3A_19 = arith.extui %lt3A_18 : i1 to i32
    %cond3A_20 = arith.constant 0 : i32
    %cond3A_21 = arith.cmpi ne, %convert_element_type3A_19, %cond3A_20 : i32
    scf.if %cond3A_21 {
      %mul3A_22 = arith.constant 1000 : i32
      %mul3A_23 = arith.muli %arg1, %mul3A_22 : i32
      "tpu.region"() ({
        %run_scoped3A = tpu.sem_alloc : memref<!tpu.dma_semaphore, #tpu.memory_space<semaphore_mem>>
        %dma_start3A = arith.constant 0 : i32
        %dma_start3A_29 = tpu.memref_slice %arg12[%mul3A_23, %dma_start3A] : memref<10000x64xf32, #tpu.memory_space<vmem_shared>> -> memref<1000x64xf32, #tpu.memory_space<vmem_shared>>
        %dma_start3A_30 = arith.constant 0 : i32
        %dma_start3A_31 = tpu.memref_slice %arg12[%mul3A_23, %dma_start3A_30] : memref<10000x64xf32, #tpu.memory_space<vmem_shared>> -> memref<1000x64xf32, #tpu.memory_space<vmem_shared>>
        tpu.enqueue_dma source(%dma_start3A_31 : memref<1000x64xf32, #tpu.memory_space<vmem_shared>>) target(%arg11 : memref<1000x64xf32, #tpu.memory_space<vmem>>) target_semaphore(%run_scoped3A : memref<!tpu.dma_semaphore, #tpu.memory_space<semaphore_mem>>)
        %dma_wait3A = arith.constant 0 : i32
        %dma_wait3A_32 = tpu.memref_slice %arg12[%mul3A_23, %dma_wait3A] : memref<10000x64xf32, #tpu.memory_space<vmem_shared>> -> memref<1000x64xf32, #tpu.memory_space<vmem_shared>>
        %dma_wait3A_33 = arith.constant 0 : i32
        %dma_wait3A_34 = tpu.memref_slice %arg12[%mul3A_23, %dma_wait3A_33] : memref<10000x64xf32, #tpu.memory_space<vmem_shared>> -> memref<1000x64xf32, #tpu.memory_space<vmem_shared>>
        tpu.wait_dma2 semaphore(%run_scoped3A : memref<!tpu.dma_semaphore, #tpu.memory_space<semaphore_mem>>) src(%dma_wait3A_34 : memref<1000x64xf32, #tpu.memory_space<vmem_shared>>) dst(%arg11 : memref<1000x64xf32, #tpu.memory_space<vmem>>)
        tpu.yield
      }) : () -> ()
      %mul3A_24 = arith.constant 10000 : i32
      %mul3A_25 = arith.muli %arg0, %mul3A_24 : i32
      %mul3A_26 = arith.constant 1000 : i32
      %mul3A_27 = arith.muli %arg1, %mul3A_26 : i32
      %add3A_28 = arith.addi %mul3A_25, %mul3A_27 : i32
      "tpu.region"() ({
        %run_scoped3A = tpu.sem_alloc : memref<!tpu.dma_semaphore, #tpu.memory_space<semaphore_mem>>
        %dma_start3A = arith.constant 0 : i32
        %dma_start3A_29 = tpu.memref_slice %arg6[%add3A_28, %dma_start3A] : memref<20000x64xf32, #tpu.memory_space<hbm>> -> memref<1000x64xf32, #tpu.memory_space<hbm>>
        %dma_start3A_30 = arith.constant 0 : i32
        %dma_start3A_31 = tpu.memref_slice %arg6[%add3A_28, %dma_start3A_30] : memref<20000x64xf32, #tpu.memory_space<hbm>> -> memref<1000x64xf32, #tpu.memory_space<hbm>>
        tpu.enqueue_dma source(%arg11 : memref<1000x64xf32, #tpu.memory_space<vmem>>) target(%dma_start3A_31 : memref<1000x64xf32, #tpu.memory_space<hbm>>) target_semaphore(%run_scoped3A : memref<!tpu.dma_semaphore, #tpu.memory_space<semaphore_mem>>)
        %dma_wait3A = arith.constant 0 : i32
        %dma_wait3A_32 = tpu.memref_slice %arg6[%add3A_28, %dma_wait3A] : memref<20000x64xf32, #tpu.memory_space<hbm>> -> memref<1000x64xf32, #tpu.memory_space<hbm>>
        %dma_wait3A_33 = arith.constant 0 : i32
        %dma_wait3A_34 = tpu.memref_slice %arg6[%add3A_28, %dma_wait3A_33] : memref<20000x64xf32, #tpu.memory_space<hbm>> -> memref<1000x64xf32, #tpu.memory_space<hbm>>
        tpu.wait_dma2 semaphore(%run_scoped3A : memref<!tpu.dma_semaphore, #tpu.memory_space<semaphore_mem>>) src(%arg11 : memref<1000x64xf32, #tpu.memory_space<vmem>>) dst(%dma_wait3A_34 : memref<1000x64xf32, #tpu.memory_space<hbm>>)
        tpu.yield
      }) : () -> ()
    } else {
    }
    return
  }
}

#map = affine_map<(d0, d1) -> (0, 0)>
#map1 = affine_map<(d0, d1) -> (0)>
module attributes {stable_mosaic.version = 14 : i64} {
  func.func @body(%arg0: i32, %arg1: i32, %arg2: memref<10000x64xf32, #tpu.memory_space<hbm>>, %arg3: memref<320000xi32, #tpu.memory_space<hbm>>, %arg4: memref<320000xi32, #tpu.memory_space<hbm>>, %arg5: memref<320000xf32, #tpu.memory_space<hbm>>, %arg6: memref<20000x64xf32, #tpu.memory_space<hbm>>, %arg7: memref<128xi32, #tpu.memory_space<vmem>>, %arg8: memref<128xi32, #tpu.memory_space<vmem>>, %arg9: memref<144xf32, #tpu.memory_space<vmem>>, %arg10: memref<128x64xf32, #tpu.memory_space<vmem>>, %arg11: memref<1000x64xf32, #tpu.memory_space<vmem>>, %arg12: memref<10000x64xf32, #tpu.memory_space<vmem_shared>>, %arg13: memref<!tpu.dma_semaphore, #tpu.memory_space<semaphore_mem>>) attributes {dimension_semantics = [#tpu.dimension_semantics<core_parallel>, #tpu.dimension_semantics<subcore_parallel>], iteration_bounds = array<i64: 2, 16>, scalar_prefetch = 0 : i64, scratch_operands = 7 : i64, tpu.core_type = #tpu.core_type<sc_vector_subcore>, window_params = [{transform_indices = #map}, {transform_indices = #map1}, {transform_indices = #map1}, {transform_indices = #map1}, {transform_indices = #map}]} {
    %mul3A = arith.constant 2 : i32
    %mul3A_0 = arith.muli %arg1, %mul3A : i32
    %add3A = arith.addi %mul3A_0, %arg0 : i32
    %scan3A = arith.constant 0 : i32
    %scan3A_1 = arith.constant 0 : i32
    %scan3A_2 = arith.constant 1000 : i32
    %scan3A_3 = arith.addi %scan3A_1, %scan3A_2 : i32
    %scan3A_4 = arith.constant 1 : i32
    %scan3A_5 = scf.for %scan3A_22 = %scan3A_1 to %scan3A_3 step %scan3A_4 iter_args(%scan3A_23 = %scan3A) -> (i32)  : i32 {
      %broadcast_in_dim3A = arith.constant 0.000000e+00 : f32
      %broadcast_in_dim3A_24 = vector.broadcast %broadcast_in_dim3A : f32 to vector<16xf32>
      %swap3A = arith.index_cast %scan3A_22 : i32 to index
      %swap3A_25 = arith.constant 0 : index
      %swap3A_26 = tpu.vector_load %arg11[%swap3A, %swap3A_25] {strides = array<i32>} : memref<1000x64xf32, #tpu.memory_space<vmem>>, vector<1x16xf32>,
      %swap3A_27 = vector.shape_cast %swap3A_26 : vector<1x16xf32> to vector<16xf32>
      %swap3A_28 = vector.shape_cast %broadcast_in_dim3A_24 : vector<16xf32> to vector<1x16xf32>
      tpu.vector_store %arg11[%swap3A, %swap3A_25], %swap3A_28 {strides = array<i32>} : memref<1000x64xf32, #tpu.memory_space<vmem>>, vector<1x16xf32>,
      %broadcast_in_dim3A_29 = arith.constant 0.000000e+00 : f32
      %broadcast_in_dim3A_30 = vector.broadcast %broadcast_in_dim3A_29 : f32 to vector<16xf32>
      %swap3A_31 = arith.index_cast %scan3A_22 : i32 to index
      %swap3A_32 = arith.constant 16 : index
      %swap3A_33 = tpu.vector_load %arg11[%swap3A_31, %swap3A_32] {strides = array<i32>} : memref<1000x64xf32, #tpu.memory_space<vmem>>, vector<1x16xf32>,
      %swap3A_34 = vector.shape_cast %swap3A_33 : vector<1x16xf32> to vector<16xf32>
      %swap3A_35 = vector.shape_cast %broadcast_in_dim3A_30 : vector<16xf32> to vector<1x16xf32>
      tpu.vector_store %arg11[%swap3A_31, %swap3A_32], %swap3A_35 {strides = array<i32>} : memref<1000x64xf32, #tpu.memory_space<vmem>>, vector<1x16xf32>,
      %broadcast_in_dim3A_36 = arith.constant 0.000000e+00 : f32
      %broadcast_in_dim3A_37 = vector.broadcast %broadcast_in_dim3A_36 : f32 to vector<16xf32>
      %swap3A_38 = arith.index_cast %scan3A_22 : i32 to index
      %swap3A_39 = arith.constant 32 : index
      %swap3A_40 = tpu.vector_load %arg11[%swap3A_38, %swap3A_39] {strides = array<i32>} : memref<1000x64xf32, #tpu.memory_space<vmem>>, vector<1x16xf32>,
      %swap3A_41 = vector.shape_cast %swap3A_40 : vector<1x16xf32> to vector<16xf32>
      %swap3A_42 = vector.shape_cast %broadcast_in_dim3A_37 : vector<16xf32> to vector<1x16xf32>
      tpu.vector_store %arg11[%swap3A_38, %swap3A_39], %swap3A_42 {strides = array<i32>} : memref<1000x64xf32, #tpu.memory_space<vmem>>, vector<1x16xf32>,
      %broadcast_in_dim3A_43 = arith.constant 0.000000e+00 : f32
      %broadcast_in_dim3A_44 = vector.broadcast %broadcast_in_dim3A_43 : f32 to vector<16xf32>
      %swap3A_45 = arith.index_cast %scan3A_22 : i32 to index
      %swap3A_46 = arith.constant 48 : index
      %swap3A_47 = tpu.vector_load %arg11[%swap3A_45, %swap3A_46] {strides = array<i32>} : memref<1000x64xf32, #tpu.memory_space<vmem>>, vector<1x16xf32>,
      %swap3A_48 = vector.shape_cast %swap3A_47 : vector<1x16xf32> to vector<16xf32>
      %swap3A_49 = vector.shape_cast %broadcast_in_dim3A_44 : vector<16xf32> to vector<1x16xf32>
      tpu.vector_store %arg11[%swap3A_45, %swap3A_46], %swap3A_49 {strides = array<i32>} : memref<1000x64xf32, #tpu.memory_space<vmem>>, vector<1x16xf32>,
      %scan3A_50 = arith.constant 0 : i32
      scf.yield %scan3A_50 : i32
    }
    %scan3A_6 = arith.constant 1000 : i32
    %lt3A = arith.constant 10 : i32
    %lt3A_7 = arith.cmpi slt, %arg1, %lt3A : i32
    %convert_element_type3A = arith.extui %lt3A_7 : i1 to i32
    %cond3A = arith.constant 0 : i32
    %cond3A_8 = arith.cmpi ne, %convert_element_type3A, %cond3A : i32
    scf.if %cond3A_8 {
      %mul3A_22 = arith.constant 1000 : i32
      %mul3A_23 = arith.muli %arg1, %mul3A_22 : i32
      "tpu.region"() ({
        %run_scoped3A = tpu.sem_alloc : memref<!tpu.dma_semaphore, #tpu.memory_space<semaphore_mem>>
        %dma_start3A = arith.constant 0 : i32
        %dma_start3A_24 = tpu.memref_slice %arg12[%mul3A_23, %dma_start3A] : memref<10000x64xf32, #tpu.memory_space<vmem_shared>> -> memref<1000x64xf32, #tpu.memory_space<vmem_shared>>
        %dma_start3A_25 = arith.constant 0 : i32
        %dma_start3A_26 = tpu.memref_slice %arg12[%mul3A_23, %dma_start3A_25] : memref<10000x64xf32, #tpu.memory_space<vmem_shared>> -> memref<1000x64xf32, #tpu.memory_space<vmem_shared>>
        tpu.enqueue_dma source(%arg11 : memref<1000x64xf32, #tpu.memory_space<vmem>>) target(%dma_start3A_26 : memref<1000x64xf32, #tpu.memory_space<vmem_shared>>) target_semaphore(%run_scoped3A : memref<!tpu.dma_semaphore, #tpu.memory_space<semaphore_mem>>)
        %dma_wait3A = arith.constant 0 : i32
        %dma_wait3A_27 = tpu.memref_slice %arg12[%mul3A_23, %dma_wait3A] : memref<10000x64xf32, #tpu.memory_space<vmem_shared>> -> memref<1000x64xf32, #tpu.memory_space<vmem_shared>>
        %dma_wait3A_28 = arith.constant 0 : i32
        %dma_wait3A_29 = tpu.memref_slice %arg12[%mul3A_23, %dma_wait3A_28] : memref<10000x64xf32, #tpu.memory_space<vmem_shared>> -> memref<1000x64xf32, #tpu.memory_space<vmem_shared>>
        tpu.wait_dma2 semaphore(%run_scoped3A : memref<!tpu.dma_semaphore, #tpu.memory_space<semaphore_mem>>) src(%arg11 : memref<1000x64xf32, #tpu.memory_space<vmem>>) dst(%dma_wait3A_29 : memref<1000x64xf32, #tpu.memory_space<vmem_shared>>)
        tpu.yield
      }) : () -> ()
    } else {
    }
    %barrier3A = arith.constant 0 : index
    tpu.barrier barrier_id(%barrier3A)
    %scan3A_9 = arith.constant 0 : i32
    %scan3A_10 = arith.constant 0 : i32
    %scan3A_11 = arith.constant 79 : i32
    %scan3A_12 = arith.addi %scan3A_10, %scan3A_11 : i32
    %scan3A_13 = arith.constant 1 : i32
    %scan3A_14 = scf.for %scan3A_22 = %scan3A_10 to %scan3A_12 step %scan3A_13 iter_args(%scan3A_23 = %scan3A_9) -> (i32)  : i32 {
      %mul3A_24 = arith.constant 32 : i32
      %mul3A_25 = arith.muli %scan3A_22, %mul3A_24 : i32
      %add3A_26 = arith.addi %mul3A_25, %add3A : i32
      %lt3A_27 = arith.constant 2500 : i32
      %lt3A_28 = arith.cmpi slt, %add3A_26, %lt3A_27 : i32
      %convert_element_type3A_29 = arith.extui %lt3A_28 : i1 to i32
      %cond3A_30 = arith.constant 0 : i32
      %cond3A_31 = arith.cmpi ne, %convert_element_type3A_29, %cond3A_30 : i32
      scf.if %cond3A_31 {
        %mul3A_33 = arith.constant 128 : i32
        %mul3A_34 = arith.muli %add3A_26, %mul3A_33 : i32
        %multiple_of3A = tpu.assume_multiple %mul3A_34, 128 : i32
        "tpu.region"() ({
          %run_scoped3A = tpu.sem_alloc : memref<!tpu.dma_semaphore, #tpu.memory_space<semaphore_mem>>
          %dma_start3A_46 = tpu.memref_slice %arg3[%multiple_of3A] : memref<320000xi32, #tpu.memory_space<hbm>> -> memref<128xi32, #tpu.memory_space<hbm>>
          %dma_start3A_47 = tpu.memref_slice %arg3[%multiple_of3A] : memref<320000xi32, #tpu.memory_space<hbm>> -> memref<128xi32, #tpu.memory_space<hbm>>
          tpu.enqueue_dma source(%dma_start3A_47 : memref<128xi32, #tpu.memory_space<hbm>>) target(%arg7 : memref<128xi32, #tpu.memory_space<vmem>>) target_semaphore(%run_scoped3A : memref<!tpu.dma_semaphore, #tpu.memory_space<semaphore_mem>>)
          %dma_wait3A_48 = tpu.memref_slice %arg3[%multiple_of3A] : memref<320000xi32, #tpu.memory_space<hbm>> -> memref<128xi32, #tpu.memory_space<hbm>>
          %dma_wait3A_49 = tpu.memref_slice %arg3[%multiple_of3A] : memref<320000xi32, #tpu.memory_space<hbm>> -> memref<128xi32, #tpu.memory_space<hbm>>
          tpu.wait_dma2 semaphore(%run_scoped3A : memref<!tpu.dma_semaphore, #tpu.memory_space<semaphore_mem>>) src(%dma_wait3A_49 : memref<128xi32, #tpu.memory_space<hbm>>) dst(%arg7 : memref<128xi32, #tpu.memory_space<vmem>>)
          tpu.yield
        }) : () -> ()
        "tpu.region"() ({
          %run_scoped3A = tpu.sem_alloc : memref<!tpu.dma_semaphore, #tpu.memory_space<semaphore_mem>>
          %dma_start3A_46 = tpu.memref_slice %arg4[%multiple_of3A] : memref<320000xi32, #tpu.memory_space<hbm>> -> memref<128xi32, #tpu.memory_space<hbm>>
          %dma_start3A_47 = tpu.memref_slice %arg4[%multiple_of3A] : memref<320000xi32, #tpu.memory_space<hbm>> -> memref<128xi32, #tpu.memory_space<hbm>>
          tpu.enqueue_dma source(%dma_start3A_47 : memref<128xi32, #tpu.memory_space<hbm>>) target(%arg8 : memref<128xi32, #tpu.memory_space<vmem>>) target_semaphore(%run_scoped3A : memref<!tpu.dma_semaphore, #tpu.memory_space<semaphore_mem>>)
          %dma_wait3A_48 = tpu.memref_slice %arg4[%multiple_of3A] : memref<320000xi32, #tpu.memory_space<hbm>> -> memref<128xi32, #tpu.memory_space<hbm>>
          %dma_wait3A_49 = tpu.memref_slice %arg4[%multiple_of3A] : memref<320000xi32, #tpu.memory_space<hbm>> -> memref<128xi32, #tpu.memory_space<hbm>>
          tpu.wait_dma2 semaphore(%run_scoped3A : memref<!tpu.dma_semaphore, #tpu.memory_space<semaphore_mem>>) src(%dma_wait3A_49 : memref<128xi32, #tpu.memory_space<hbm>>) dst(%arg8 : memref<128xi32, #tpu.memory_space<vmem>>)
          tpu.yield
        }) : () -> ()
        "tpu.region"() ({
          %run_scoped3A = tpu.sem_alloc : memref<!tpu.dma_semaphore, #tpu.memory_space<semaphore_mem>>
          %dma_start3A_46 = arith.constant 0 : i32
          %dma_start3A_47 = tpu.memref_slice %arg9[%dma_start3A_46] : memref<144xf32, #tpu.memory_space<vmem>> -> memref<128xf32, #tpu.memory_space<vmem>>
          %dma_start3A_48 = tpu.memref_slice %arg5[%multiple_of3A] : memref<320000xf32, #tpu.memory_space<hbm>> -> memref<128xf32, #tpu.memory_space<hbm>>
          %dma_start3A_49 = arith.constant 0 : i32
          %dma_start3A_50 = tpu.memref_slice %arg9[%dma_start3A_49] : memref<144xf32, #tpu.memory_space<vmem>> -> memref<128xf32, #tpu.memory_space<vmem>>
          %dma_start3A_51 = tpu.memref_slice %arg5[%multiple_of3A] : memref<320000xf32, #tpu.memory_space<hbm>> -> memref<128xf32, #tpu.memory_space<hbm>>
          tpu.enqueue_dma source(%dma_start3A_51 : memref<128xf32, #tpu.memory_space<hbm>>) target(%dma_start3A_50 : memref<128xf32, #tpu.memory_space<vmem>>) target_semaphore(%run_scoped3A : memref<!tpu.dma_semaphore, #tpu.memory_space<semaphore_mem>>)
          %dma_wait3A_52 = arith.constant 0 : i32
          %dma_wait3A_53 = tpu.memref_slice %arg9[%dma_wait3A_52] : memref<144xf32, #tpu.memory_space<vmem>> -> memref<128xf32, #tpu.memory_space<vmem>>
          %dma_wait3A_54 = tpu.memref_slice %arg5[%multiple_of3A] : memref<320000xf32, #tpu.memory_space<hbm>> -> memref<128xf32, #tpu.memory_space<hbm>>
          %dma_wait3A_55 = arith.constant 0 : i32
          %dma_wait3A_56 = tpu.memref_slice %arg9[%dma_wait3A_55] : memref<144xf32, #tpu.memory_space<vmem>> -> memref<128xf32, #tpu.memory_space<vmem>>
          %dma_wait3A_57 = tpu.memref_slice %arg5[%multiple_of3A] : memref<320000xf32, #tpu.memory_space<hbm>> -> memref<128xf32, #tpu.memory_space<hbm>>
          tpu.wait_dma2 semaphore(%run_scoped3A : memref<!tpu.dma_semaphore, #tpu.memory_space<semaphore_mem>>) src(%dma_wait3A_57 : memref<128xf32, #tpu.memory_space<hbm>>) dst(%dma_wait3A_56 : memref<128xf32, #tpu.memory_space<vmem>>)
          tpu.yield
        }) : () -> ()
        %dma_start3A = arith.constant 0 : i32
        %dma_start3A_35 = arith.constant 0 : i32
        %dma_start3A_36 = tpu.memref_slice %arg2[%dma_start3A, %dma_start3A_35] : memref<10000x64xf32, #tpu.memory_space<hbm>> -> memref<10000x64xf32, #tpu.memory_space<hbm>>
        tpu.enqueue_indirect_dma source(%dma_start3A_36 : memref<10000x64xf32, #tpu.memory_space<hbm>>) target(%arg10 : memref<128x64xf32, #tpu.memory_space<vmem>>) offsets(%arg7 : memref<128xi32, #tpu.memory_space<vmem>>) semaphore(%arg13 : memref<!tpu.dma_semaphore, #tpu.memory_space<semaphore_mem>>)
        %dma_wait3A = arith.constant 0 : i32
        %dma_wait3A_37 = arith.constant 0 : i32
        %dma_wait3A_38 = tpu.memref_slice %arg2[%dma_wait3A, %dma_wait3A_37] : memref<10000x64xf32, #tpu.memory_space<hbm>> -> memref<10000x64xf32, #tpu.memory_space<hbm>>
        tpu.wait_indirect_dma semaphore(%arg13 : memref<!tpu.dma_semaphore, #tpu.memory_space<semaphore_mem>>) src(%dma_wait3A_38 : memref<10000x64xf32, #tpu.memory_space<hbm>>) dst(%arg10 : memref<128x64xf32, #tpu.memory_space<vmem>>)
        %scan3A_39 = arith.constant 0 : i32
        %scan3A_40 = arith.constant 0 : i32
        %scan3A_41 = arith.constant 128 : i32
        %scan3A_42 = arith.addi %scan3A_40, %scan3A_41 : i32
        %scan3A_43 = arith.constant 1 : i32
        %scan3A_44 = scf.for %scan3A_46 = %scan3A_40 to %scan3A_42 step %scan3A_43 iter_args(%scan3A_47 = %scan3A_39) -> (i32)  : i32 {
          %get3A = arith.index_cast %scan3A_46 : i32 to index
          %get3A_48 = tpu.vector_load %arg9[%get3A] {strides = array<i32>} : memref<144xf32, #tpu.memory_space<vmem>>, vector<16xf32>,
          %get3A_49 = vector.shape_cast %get3A_48 : vector<16xf32> to vector<16xf32>
          %slice3A = vector.extract_strided_slice %get3A_49 {offsets = [0], sizes = [1], strides = [1]} : vector<16xf32> to vector<1xf32>
          %squeeze3A = vector.extract %slice3A[0] : f32 from vector<1xf32>
          %get3A_50 = arith.index_cast %scan3A_46 : i32 to index
          %get3A_51 = arith.constant 0 : index
          %get3A_52 = tpu.vector_load %arg10[%get3A_50, %get3A_51] {strides = array<i32>} : memref<128x64xf32, #tpu.memory_space<vmem>>, vector<1x16xf32>,
          %get3A_53 = vector.shape_cast %get3A_52 : vector<1x16xf32> to vector<16xf32>
          %mul3A_54 = vector.broadcast %squeeze3A : f32 to vector<16xf32>
          %mul3A_55 = arith.mulf %get3A_53, %mul3A_54 : vector<16xf32>
          %swap3A = arith.index_cast %scan3A_46 : i32 to index
          %swap3A_56 = arith.constant 0 : index
          %swap3A_57 = tpu.vector_load %arg10[%swap3A, %swap3A_56] {strides = array<i32>} : memref<128x64xf32, #tpu.memory_space<vmem>>, vector<1x16xf32>,
          %swap3A_58 = vector.shape_cast %swap3A_57 : vector<1x16xf32> to vector<16xf32>
          %swap3A_59 = vector.shape_cast %mul3A_55 : vector<16xf32> to vector<1x16xf32>
          tpu.vector_store %arg10[%swap3A, %swap3A_56], %swap3A_59 {strides = array<i32>} : memref<128x64xf32, #tpu.memory_space<vmem>>, vector<1x16xf32>,
          %get3A_60 = arith.index_cast %scan3A_46 : i32 to index
          %get3A_61 = arith.constant 16 : index
          %get3A_62 = tpu.vector_load %arg10[%get3A_60, %get3A_61] {strides = array<i32>} : memref<128x64xf32, #tpu.memory_space<vmem>>, vector<1x16xf32>,
          %get3A_63 = vector.shape_cast %get3A_62 : vector<1x16xf32> to vector<16xf32>
          %mul3A_64 = vector.broadcast %squeeze3A : f32 to vector<16xf32>
          %mul3A_65 = arith.mulf %get3A_63, %mul3A_64 : vector<16xf32>
          %swap3A_66 = arith.index_cast %scan3A_46 : i32 to index
          %swap3A_67 = arith.constant 16 : index
          %swap3A_68 = tpu.vector_load %arg10[%swap3A_66, %swap3A_67] {strides = array<i32>} : memref<128x64xf32, #tpu.memory_space<vmem>>, vector<1x16xf32>,
          %swap3A_69 = vector.shape_cast %swap3A_68 : vector<1x16xf32> to vector<16xf32>
          %swap3A_70 = vector.shape_cast %mul3A_65 : vector<16xf32> to vector<1x16xf32>
          tpu.vector_store %arg10[%swap3A_66, %swap3A_67], %swap3A_70 {strides = array<i32>} : memref<128x64xf32, #tpu.memory_space<vmem>>, vector<1x16xf32>,
          %get3A_71 = arith.index_cast %scan3A_46 : i32 to index
          %get3A_72 = arith.constant 32 : index
          %get3A_73 = tpu.vector_load %arg10[%get3A_71, %get3A_72] {strides = array<i32>} : memref<128x64xf32, #tpu.memory_space<vmem>>, vector<1x16xf32>,
          %get3A_74 = vector.shape_cast %get3A_73 : vector<1x16xf32> to vector<16xf32>
          %mul3A_75 = vector.broadcast %squeeze3A : f32 to vector<16xf32>
          %mul3A_76 = arith.mulf %get3A_74, %mul3A_75 : vector<16xf32>
          %swap3A_77 = arith.index_cast %scan3A_46 : i32 to index
          %swap3A_78 = arith.constant 32 : index
          %swap3A_79 = tpu.vector_load %arg10[%swap3A_77, %swap3A_78] {strides = array<i32>} : memref<128x64xf32, #tpu.memory_space<vmem>>, vector<1x16xf32>,
          %swap3A_80 = vector.shape_cast %swap3A_79 : vector<1x16xf32> to vector<16xf32>
          %swap3A_81 = vector.shape_cast %mul3A_76 : vector<16xf32> to vector<1x16xf32>
          tpu.vector_store %arg10[%swap3A_77, %swap3A_78], %swap3A_81 {strides = array<i32>} : memref<128x64xf32, #tpu.memory_space<vmem>>, vector<1x16xf32>,
          %get3A_82 = arith.index_cast %scan3A_46 : i32 to index
          %get3A_83 = arith.constant 48 : index
          %get3A_84 = tpu.vector_load %arg10[%get3A_82, %get3A_83] {strides = array<i32>} : memref<128x64xf32, #tpu.memory_space<vmem>>, vector<1x16xf32>,
          %get3A_85 = vector.shape_cast %get3A_84 : vector<1x16xf32> to vector<16xf32>
          %mul3A_86 = vector.broadcast %squeeze3A : f32 to vector<16xf32>
          %mul3A_87 = arith.mulf %get3A_85, %mul3A_86 : vector<16xf32>
          %swap3A_88 = arith.index_cast %scan3A_46 : i32 to index
          %swap3A_89 = arith.constant 48 : index
          %swap3A_90 = tpu.vector_load %arg10[%swap3A_88, %swap3A_89] {strides = array<i32>} : memref<128x64xf32, #tpu.memory_space<vmem>>, vector<1x16xf32>,
          %swap3A_91 = vector.shape_cast %swap3A_90 : vector<1x16xf32> to vector<16xf32>
          %swap3A_92 = vector.shape_cast %mul3A_87 : vector<16xf32> to vector<1x16xf32>
          tpu.vector_store %arg10[%swap3A_88, %swap3A_89], %swap3A_92 {strides = array<i32>} : memref<128x64xf32, #tpu.memory_space<vmem>>, vector<1x16xf32>,
          %scan3A_93 = arith.constant 0 : i32
          scf.yield %scan3A_93 : i32
        }
        %scan3A_45 = arith.constant 128 : i32
        "tpu.region"() ({
          %run_scoped3A = tpu.sem_alloc : memref<!tpu.dma_semaphore, #tpu.memory_space<semaphore_mem>>
          %dma_start3A_46 = arith.constant 0 : i32
          %dma_start3A_47 = arith.constant 0 : i32
          %dma_start3A_48 = tpu.memref_slice %arg12[%dma_start3A_46, %dma_start3A_47] : memref<10000x64xf32, #tpu.memory_space<vmem_shared>> -> memref<10000x64xf32, #tpu.memory_space<vmem_shared>>
          tpu.enqueue_indirect_dma source(%arg10 : memref<128x64xf32, #tpu.memory_space<vmem>>) target(%dma_start3A_48 : memref<10000x64xf32, #tpu.memory_space<vmem_shared>>) offsets(%arg8 : memref<128xi32, #tpu.memory_space<vmem>>) semaphore(%run_scoped3A : memref<!tpu.dma_semaphore, #tpu.memory_space<semaphore_mem>>) {add = true}
          %dma_wait3A_49 = arith.constant 0 : i32
          %dma_wait3A_50 = arith.constant 0 : i32
          %dma_wait3A_51 = tpu.memref_slice %arg12[%dma_wait3A_49, %dma_wait3A_50] : memref<10000x64xf32, #tpu.memory_space<vmem_shared>> -> memref<10000x64xf32, #tpu.memory_space<vmem_shared>>
          tpu.wait_indirect_dma semaphore(%run_scoped3A : memref<!tpu.dma_semaphore, #tpu.memory_space<semaphore_mem>>) src(%arg10 : memref<128x64xf32, #tpu.memory_space<vmem>>) dst(%dma_wait3A_51 : memref<10000x64xf32, #tpu.memory_space<vmem_shared>>)
          tpu.yield
        }) : () -> ()
      } else {
      }
      %scan3A_32 = arith.constant 0 : i32
      scf.yield %scan3A_32 : i32
    }
    %scan3A_15 = arith.constant 79 : i32
    %barrier3A_16 = arith.constant 0 : index
    tpu.barrier barrier_id(%barrier3A_16)
    %lt3A_17 = arith.constant 10 : i32
    %lt3A_18 = arith.cmpi slt, %arg1, %lt3A_17 : i32
    %convert_element_type3A_19 = arith.extui %lt3A_18 : i1 to i32
    %cond3A_20 = arith.constant 0 : i32
    %cond3A_21 = arith.cmpi ne, %convert_element_type3A_19, %cond3A_20 : i32
    scf.if %cond3A_21 {
      %mul3A_22 = arith.constant 1000 : i32
      %mul3A_23 = arith.muli %arg1, %mul3A_22 : i32
      "tpu.region"() ({
        %run_scoped3A = tpu.sem_alloc : memref<!tpu.dma_semaphore, #tpu.memory_space<semaphore_mem>>
        %dma_start3A = arith.constant 0 : i32
        %dma_start3A_29 = tpu.memref_slice %arg12[%mul3A_23, %dma_start3A] : memref<10000x64xf32, #tpu.memory_space<vmem_shared>> -> memref<1000x64xf32, #tpu.memory_space<vmem_shared>>
        %dma_start3A_30 = arith.constant 0 : i32
        %dma_start3A_31 = tpu.memref_slice %arg12[%mul3A_23, %dma_start3A_30] : memref<10000x64xf32, #tpu.memory_space<vmem_shared>> -> memref<1000x64xf32, #tpu.memory_space<vmem_shared>>
        tpu.enqueue_dma source(%dma_start3A_31 : memref<1000x64xf32, #tpu.memory_space<vmem_shared>>) target(%arg11 : memref<1000x64xf32, #tpu.memory_space<vmem>>) target_semaphore(%run_scoped3A : memref<!tpu.dma_semaphore, #tpu.memory_space<semaphore_mem>>)
        %dma_wait3A = arith.constant 0 : i32
        %dma_wait3A_32 = tpu.memref_slice %arg12[%mul3A_23, %dma_wait3A] : memref<10000x64xf32, #tpu.memory_space<vmem_shared>> -> memref<1000x64xf32, #tpu.memory_space<vmem_shared>>
        %dma_wait3A_33 = arith.constant 0 : i32
        %dma_wait3A_34 = tpu.memref_slice %arg12[%mul3A_23, %dma_wait3A_33] : memref<10000x64xf32, #tpu.memory_space<vmem_shared>> -> memref<1000x64xf32, #tpu.memory_space<vmem_shared>>
        tpu.wait_dma2 semaphore(%run_scoped3A : memref<!tpu.dma_semaphore, #tpu.memory_space<semaphore_mem>>) src(%dma_wait3A_34 : memref<1000x64xf32, #tpu.memory_space<vmem_shared>>) dst(%arg11 : memref<1000x64xf32, #tpu.memory_space<vmem>>)
        tpu.yield
      }) : () -> ()
      %mul3A_24 = arith.constant 10000 : i32
      %mul3A_25 = arith.muli %arg0, %mul3A_24 : i32
      %mul3A_26 = arith.constant 1000 : i32
      %mul3A_27 = arith.muli %arg1, %mul3A_26 : i32
      %add3A_28 = arith.addi %mul3A_25, %mul3A_27 : i32
      "tpu.region"() ({
        %run_scoped3A = tpu.sem_alloc : memref<!tpu.dma_semaphore, #tpu.memory_space<semaphore_mem>>
        %dma_start3A = arith.constant 0 : i32
        %dma_start3A_29 = tpu.memref_slice %arg6[%add3A_28, %dma_start3A] : memref<20000x64xf32, #tpu.memory_space<hbm>> -> memref<1000x64xf32, #tpu.memory_space<hbm>>
        %dma_start3A_30 = arith.constant 0 : i32
        %dma_start3A_31 = tpu.memref_slice %arg6[%add3A_28, %dma_start3A_30] : memref<20000x64xf32, #tpu.memory_space<hbm>> -> memref<1000x64xf32, #tpu.memory_space<hbm>>
        tpu.enqueue_dma source(%arg11 : memref<1000x64xf32, #tpu.memory_space<vmem>>) target(%dma_start3A_31 : memref<1000x64xf32, #tpu.memory_space<hbm>>) target_semaphore(%run_scoped3A : memref<!tpu.dma_semaphore, #tpu.memory_space<semaphore_mem>>)
        %dma_wait3A = arith.constant 0 : i32
        %dma_wait3A_32 = tpu.memref_slice %arg6[%add3A_28, %dma_wait3A] : memref<20000x64xf32, #tpu.memory_space<hbm>> -> memref<1000x64xf32, #tpu.memory_space<hbm>>
        %dma_wait3A_33 = arith.constant 0 : i32
        %dma_wait3A_34 = tpu.memref_slice %arg6[%add3A_28, %dma_wait3A_33] : memref<20000x64xf32, #tpu.memory_space<hbm>> -> memref<1000x64xf32, #tpu.memory_space<hbm>>
        tpu.wait_dma2 semaphore(%run_scoped3A : memref<!tpu.dma_semaphore, #tpu.memory_space<semaphore_mem>>) src(%arg11 : memref<1000x64xf32, #tpu.memory_space<vmem>>) dst(%dma_wait3A_34 : memref<1000x64xf32, #tpu.memory_space<hbm>>)
        tpu.yield
      }) : () -> ()
    } else {
    }
    return
  }
}

#map = affine_map<(d0, d1) -> (0, 0)>
#map1 = affine_map<(d0, d1) -> (0)>
module attributes {stable_mosaic.version = 14 : i64} {
  func.func @body(%arg0: i32, %arg1: i32, %arg2: memref<10000x64xf32, #tpu.memory_space<hbm>>, %arg3: memref<320000xi32, #tpu.memory_space<hbm>>, %arg4: memref<320000xi32, #tpu.memory_space<hbm>>, %arg5: memref<320000xf32, #tpu.memory_space<hbm>>, %arg6: memref<20000x64xf32, #tpu.memory_space<hbm>>, %arg7: memref<128xi32, #tpu.memory_space<vmem>>, %arg8: memref<128xi32, #tpu.memory_space<vmem>>, %arg9: memref<144xf32, #tpu.memory_space<vmem>>, %arg10: memref<128x64xf32, #tpu.memory_space<vmem>>, %arg11: memref<1000x64xf32, #tpu.memory_space<vmem>>, %arg12: memref<10000x64xf32, #tpu.memory_space<vmem_shared>>, %arg13: memref<!tpu.dma_semaphore, #tpu.memory_space<semaphore_mem>>) attributes {dimension_semantics = [#tpu.dimension_semantics<core_parallel>, #tpu.dimension_semantics<subcore_parallel>], iteration_bounds = array<i64: 2, 16>, scalar_prefetch = 0 : i64, scratch_operands = 7 : i64, tpu.core_type = #tpu.core_type<sc_vector_subcore>, window_params = [{transform_indices = #map}, {transform_indices = #map1}, {transform_indices = #map1}, {transform_indices = #map1}, {transform_indices = #map}]} {
    %mul3A = arith.constant 2 : i32
    %mul3A_0 = arith.muli %arg1, %mul3A : i32
    %add3A = arith.addi %mul3A_0, %arg0 : i32
    %scan3A = arith.constant 0 : i32
    %scan3A_1 = arith.constant 0 : i32
    %scan3A_2 = arith.constant 1000 : i32
    %scan3A_3 = arith.addi %scan3A_1, %scan3A_2 : i32
    %scan3A_4 = arith.constant 1 : i32
    %scan3A_5 = scf.for %scan3A_22 = %scan3A_1 to %scan3A_3 step %scan3A_4 iter_args(%scan3A_23 = %scan3A) -> (i32)  : i32 {
      %broadcast_in_dim3A = arith.constant 0.000000e+00 : f32
      %broadcast_in_dim3A_24 = vector.broadcast %broadcast_in_dim3A : f32 to vector<16xf32>
      %swap3A = arith.index_cast %scan3A_22 : i32 to index
      %swap3A_25 = arith.constant 0 : index
      %swap3A_26 = tpu.vector_load %arg11[%swap3A, %swap3A_25] {strides = array<i32>} : memref<1000x64xf32, #tpu.memory_space<vmem>>, vector<1x16xf32>,
      %swap3A_27 = vector.shape_cast %swap3A_26 : vector<1x16xf32> to vector<16xf32>
      %swap3A_28 = vector.shape_cast %broadcast_in_dim3A_24 : vector<16xf32> to vector<1x16xf32>
      tpu.vector_store %arg11[%swap3A, %swap3A_25], %swap3A_28 {strides = array<i32>} : memref<1000x64xf32, #tpu.memory_space<vmem>>, vector<1x16xf32>,
      %broadcast_in_dim3A_29 = arith.constant 0.000000e+00 : f32
      %broadcast_in_dim3A_30 = vector.broadcast %broadcast_in_dim3A_29 : f32 to vector<16xf32>
      %swap3A_31 = arith.index_cast %scan3A_22 : i32 to index
      %swap3A_32 = arith.constant 16 : index
      %swap3A_33 = tpu.vector_load %arg11[%swap3A_31, %swap3A_32] {strides = array<i32>} : memref<1000x64xf32, #tpu.memory_space<vmem>>, vector<1x16xf32>,
      %swap3A_34 = vector.shape_cast %swap3A_33 : vector<1x16xf32> to vector<16xf32>
      %swap3A_35 = vector.shape_cast %broadcast_in_dim3A_30 : vector<16xf32> to vector<1x16xf32>
      tpu.vector_store %arg11[%swap3A_31, %swap3A_32], %swap3A_35 {strides = array<i32>} : memref<1000x64xf32, #tpu.memory_space<vmem>>, vector<1x16xf32>,
      %broadcast_in_dim3A_36 = arith.constant 0.000000e+00 : f32
      %broadcast_in_dim3A_37 = vector.broadcast %broadcast_in_dim3A_36 : f32 to vector<16xf32>
      %swap3A_38 = arith.index_cast %scan3A_22 : i32 to index
      %swap3A_39 = arith.constant 32 : index
      %swap3A_40 = tpu.vector_load %arg11[%swap3A_38, %swap3A_39] {strides = array<i32>} : memref<1000x64xf32, #tpu.memory_space<vmem>>, vector<1x16xf32>,
      %swap3A_41 = vector.shape_cast %swap3A_40 : vector<1x16xf32> to vector<16xf32>
      %swap3A_42 = vector.shape_cast %broadcast_in_dim3A_37 : vector<16xf32> to vector<1x16xf32>
      tpu.vector_store %arg11[%swap3A_38, %swap3A_39], %swap3A_42 {strides = array<i32>} : memref<1000x64xf32, #tpu.memory_space<vmem>>, vector<1x16xf32>,
      %broadcast_in_dim3A_43 = arith.constant 0.000000e+00 : f32
      %broadcast_in_dim3A_44 = vector.broadcast %broadcast_in_dim3A_43 : f32 to vector<16xf32>
      %swap3A_45 = arith.index_cast %scan3A_22 : i32 to index
      %swap3A_46 = arith.constant 48 : index
      %swap3A_47 = tpu.vector_load %arg11[%swap3A_45, %swap3A_46] {strides = array<i32>} : memref<1000x64xf32, #tpu.memory_space<vmem>>, vector<1x16xf32>,
      %swap3A_48 = vector.shape_cast %swap3A_47 : vector<1x16xf32> to vector<16xf32>
      %swap3A_49 = vector.shape_cast %broadcast_in_dim3A_44 : vector<16xf32> to vector<1x16xf32>
      tpu.vector_store %arg11[%swap3A_45, %swap3A_46], %swap3A_49 {strides = array<i32>} : memref<1000x64xf32, #tpu.memory_space<vmem>>, vector<1x16xf32>,
      %scan3A_50 = arith.constant 0 : i32
      scf.yield %scan3A_50 : i32
    }
    %scan3A_6 = arith.constant 1000 : i32
    %lt3A = arith.constant 10 : i32
    %lt3A_7 = arith.cmpi slt, %arg1, %lt3A : i32
    %convert_element_type3A = arith.extui %lt3A_7 : i1 to i32
    %cond3A = arith.constant 0 : i32
    %cond3A_8 = arith.cmpi ne, %convert_element_type3A, %cond3A : i32
    scf.if %cond3A_8 {
      %mul3A_22 = arith.constant 1000 : i32
      %mul3A_23 = arith.muli %arg1, %mul3A_22 : i32
      "tpu.region"() ({
        %run_scoped3A = tpu.sem_alloc : memref<!tpu.dma_semaphore, #tpu.memory_space<semaphore_mem>>
        %dma_start3A = arith.constant 0 : i32
        %dma_start3A_24 = tpu.memref_slice %arg12[%mul3A_23, %dma_start3A] : memref<10000x64xf32, #tpu.memory_space<vmem_shared>> -> memref<1000x64xf32, #tpu.memory_space<vmem_shared>>
        %dma_start3A_25 = arith.constant 0 : i32
        %dma_start3A_26 = tpu.memref_slice %arg12[%mul3A_23, %dma_start3A_25] : memref<10000x64xf32, #tpu.memory_space<vmem_shared>> -> memref<1000x64xf32, #tpu.memory_space<vmem_shared>>
        tpu.enqueue_dma source(%arg11 : memref<1000x64xf32, #tpu.memory_space<vmem>>) target(%dma_start3A_26 : memref<1000x64xf32, #tpu.memory_space<vmem_shared>>) target_semaphore(%run_scoped3A : memref<!tpu.dma_semaphore, #tpu.memory_space<semaphore_mem>>)
        %dma_wait3A = arith.constant 0 : i32
        %dma_wait3A_27 = tpu.memref_slice %arg12[%mul3A_23, %dma_wait3A] : memref<10000x64xf32, #tpu.memory_space<vmem_shared>> -> memref<1000x64xf32, #tpu.memory_space<vmem_shared>>
        %dma_wait3A_28 = arith.constant 0 : i32
        %dma_wait3A_29 = tpu.memref_slice %arg12[%mul3A_23, %dma_wait3A_28] : memref<10000x64xf32, #tpu.memory_space<vmem_shared>> -> memref<1000x64xf32, #tpu.memory_space<vmem_shared>>
        tpu.wait_dma2 semaphore(%run_scoped3A : memref<!tpu.dma_semaphore, #tpu.memory_space<semaphore_mem>>) src(%arg11 : memref<1000x64xf32, #tpu.memory_space<vmem>>) dst(%dma_wait3A_29 : memref<1000x64xf32, #tpu.memory_space<vmem_shared>>)
        tpu.yield
      }) : () -> ()
    } else {
    }
    %barrier3A = arith.constant 0 : index
    tpu.barrier barrier_id(%barrier3A)
    %scan3A_9 = arith.constant 0 : i32
    %scan3A_10 = arith.constant 0 : i32
    %scan3A_11 = arith.constant 79 : i32
    %scan3A_12 = arith.addi %scan3A_10, %scan3A_11 : i32
    %scan3A_13 = arith.constant 1 : i32
    %scan3A_14 = scf.for %scan3A_22 = %scan3A_10 to %scan3A_12 step %scan3A_13 iter_args(%scan3A_23 = %scan3A_9) -> (i32)  : i32 {
      %mul3A_24 = arith.constant 32 : i32
      %mul3A_25 = arith.muli %scan3A_22, %mul3A_24 : i32
      %add3A_26 = arith.addi %mul3A_25, %add3A : i32
      %lt3A_27 = arith.constant 2500 : i32
      %lt3A_28 = arith.cmpi slt, %add3A_26, %lt3A_27 : i32
      %convert_element_type3A_29 = arith.extui %lt3A_28 : i1 to i32
      %cond3A_30 = arith.constant 0 : i32
      %cond3A_31 = arith.cmpi ne, %convert_element_type3A_29, %cond3A_30 : i32
      scf.if %cond3A_31 {
        %mul3A_33 = arith.constant 128 : i32
        %mul3A_34 = arith.muli %add3A_26, %mul3A_33 : i32
        %multiple_of3A = tpu.assume_multiple %mul3A_34, 128 : i32
        "tpu.region"() ({
          %run_scoped3A = tpu.sem_alloc : memref<!tpu.dma_semaphore, #tpu.memory_space<semaphore_mem>>
          %dma_start3A_46 = tpu.memref_slice %arg3[%multiple_of3A] : memref<320000xi32, #tpu.memory_space<hbm>> -> memref<128xi32, #tpu.memory_space<hbm>>
          %dma_start3A_47 = tpu.memref_slice %arg3[%multiple_of3A] : memref<320000xi32, #tpu.memory_space<hbm>> -> memref<128xi32, #tpu.memory_space<hbm>>
          tpu.enqueue_dma source(%dma_start3A_47 : memref<128xi32, #tpu.memory_space<hbm>>) target(%arg7 : memref<128xi32, #tpu.memory_space<vmem>>) target_semaphore(%run_scoped3A : memref<!tpu.dma_semaphore, #tpu.memory_space<semaphore_mem>>)
          %dma_wait3A_48 = tpu.memref_slice %arg3[%multiple_of3A] : memref<320000xi32, #tpu.memory_space<hbm>> -> memref<128xi32, #tpu.memory_space<hbm>>
          %dma_wait3A_49 = tpu.memref_slice %arg3[%multiple_of3A] : memref<320000xi32, #tpu.memory_space<hbm>> -> memref<128xi32, #tpu.memory_space<hbm>>
          tpu.wait_dma2 semaphore(%run_scoped3A : memref<!tpu.dma_semaphore, #tpu.memory_space<semaphore_mem>>) src(%dma_wait3A_49 : memref<128xi32, #tpu.memory_space<hbm>>) dst(%arg7 : memref<128xi32, #tpu.memory_space<vmem>>)
          tpu.yield
        }) : () -> ()
        "tpu.region"() ({
          %run_scoped3A = tpu.sem_alloc : memref<!tpu.dma_semaphore, #tpu.memory_space<semaphore_mem>>
          %dma_start3A_46 = tpu.memref_slice %arg4[%multiple_of3A] : memref<320000xi32, #tpu.memory_space<hbm>> -> memref<128xi32, #tpu.memory_space<hbm>>
          %dma_start3A_47 = tpu.memref_slice %arg4[%multiple_of3A] : memref<320000xi32, #tpu.memory_space<hbm>> -> memref<128xi32, #tpu.memory_space<hbm>>
          tpu.enqueue_dma source(%dma_start3A_47 : memref<128xi32, #tpu.memory_space<hbm>>) target(%arg8 : memref<128xi32, #tpu.memory_space<vmem>>) target_semaphore(%run_scoped3A : memref<!tpu.dma_semaphore, #tpu.memory_space<semaphore_mem>>)
          %dma_wait3A_48 = tpu.memref_slice %arg4[%multiple_of3A] : memref<320000xi32, #tpu.memory_space<hbm>> -> memref<128xi32, #tpu.memory_space<hbm>>
          %dma_wait3A_49 = tpu.memref_slice %arg4[%multiple_of3A] : memref<320000xi32, #tpu.memory_space<hbm>> -> memref<128xi32, #tpu.memory_space<hbm>>
          tpu.wait_dma2 semaphore(%run_scoped3A : memref<!tpu.dma_semaphore, #tpu.memory_space<semaphore_mem>>) src(%dma_wait3A_49 : memref<128xi32, #tpu.memory_space<hbm>>) dst(%arg8 : memref<128xi32, #tpu.memory_space<vmem>>)
          tpu.yield
        }) : () -> ()
        "tpu.region"() ({
          %run_scoped3A = tpu.sem_alloc : memref<!tpu.dma_semaphore, #tpu.memory_space<semaphore_mem>>
          %dma_start3A_46 = arith.constant 0 : i32
          %dma_start3A_47 = tpu.memref_slice %arg9[%dma_start3A_46] : memref<144xf32, #tpu.memory_space<vmem>> -> memref<128xf32, #tpu.memory_space<vmem>>
          %dma_start3A_48 = tpu.memref_slice %arg5[%multiple_of3A] : memref<320000xf32, #tpu.memory_space<hbm>> -> memref<128xf32, #tpu.memory_space<hbm>>
          %dma_start3A_49 = arith.constant 0 : i32
          %dma_start3A_50 = tpu.memref_slice %arg9[%dma_start3A_49] : memref<144xf32, #tpu.memory_space<vmem>> -> memref<128xf32, #tpu.memory_space<vmem>>
          %dma_start3A_51 = tpu.memref_slice %arg5[%multiple_of3A] : memref<320000xf32, #tpu.memory_space<hbm>> -> memref<128xf32, #tpu.memory_space<hbm>>
          tpu.enqueue_dma source(%dma_start3A_51 : memref<128xf32, #tpu.memory_space<hbm>>) target(%dma_start3A_50 : memref<128xf32, #tpu.memory_space<vmem>>) target_semaphore(%run_scoped3A : memref<!tpu.dma_semaphore, #tpu.memory_space<semaphore_mem>>)
          %dma_wait3A_52 = arith.constant 0 : i32
          %dma_wait3A_53 = tpu.memref_slice %arg9[%dma_wait3A_52] : memref<144xf32, #tpu.memory_space<vmem>> -> memref<128xf32, #tpu.memory_space<vmem>>
          %dma_wait3A_54 = tpu.memref_slice %arg5[%multiple_of3A] : memref<320000xf32, #tpu.memory_space<hbm>> -> memref<128xf32, #tpu.memory_space<hbm>>
          %dma_wait3A_55 = arith.constant 0 : i32
          %dma_wait3A_56 = tpu.memref_slice %arg9[%dma_wait3A_55] : memref<144xf32, #tpu.memory_space<vmem>> -> memref<128xf32, #tpu.memory_space<vmem>>
          %dma_wait3A_57 = tpu.memref_slice %arg5[%multiple_of3A] : memref<320000xf32, #tpu.memory_space<hbm>> -> memref<128xf32, #tpu.memory_space<hbm>>
          tpu.wait_dma2 semaphore(%run_scoped3A : memref<!tpu.dma_semaphore, #tpu.memory_space<semaphore_mem>>) src(%dma_wait3A_57 : memref<128xf32, #tpu.memory_space<hbm>>) dst(%dma_wait3A_56 : memref<128xf32, #tpu.memory_space<vmem>>)
          tpu.yield
        }) : () -> ()
        %dma_start3A = arith.constant 0 : i32
        %dma_start3A_35 = arith.constant 0 : i32
        %dma_start3A_36 = tpu.memref_slice %arg2[%dma_start3A, %dma_start3A_35] : memref<10000x64xf32, #tpu.memory_space<hbm>> -> memref<10000x64xf32, #tpu.memory_space<hbm>>
        tpu.enqueue_indirect_dma source(%dma_start3A_36 : memref<10000x64xf32, #tpu.memory_space<hbm>>) target(%arg10 : memref<128x64xf32, #tpu.memory_space<vmem>>) offsets(%arg7 : memref<128xi32, #tpu.memory_space<vmem>>) semaphore(%arg13 : memref<!tpu.dma_semaphore, #tpu.memory_space<semaphore_mem>>)
        %dma_wait3A = arith.constant 0 : i32
        %dma_wait3A_37 = arith.constant 0 : i32
        %dma_wait3A_38 = tpu.memref_slice %arg2[%dma_wait3A, %dma_wait3A_37] : memref<10000x64xf32, #tpu.memory_space<hbm>> -> memref<10000x64xf32, #tpu.memory_space<hbm>>
        tpu.wait_indirect_dma semaphore(%arg13 : memref<!tpu.dma_semaphore, #tpu.memory_space<semaphore_mem>>) src(%dma_wait3A_38 : memref<10000x64xf32, #tpu.memory_space<hbm>>) dst(%arg10 : memref<128x64xf32, #tpu.memory_space<vmem>>)
        %scan3A_39 = arith.constant 0 : i32
        %scan3A_40 = arith.constant 0 : i32
        %scan3A_41 = arith.constant 128 : i32
        %scan3A_42 = arith.addi %scan3A_40, %scan3A_41 : i32
        %scan3A_43 = arith.constant 1 : i32
        %scan3A_44 = scf.for %scan3A_46 = %scan3A_40 to %scan3A_42 step %scan3A_43 iter_args(%scan3A_47 = %scan3A_39) -> (i32)  : i32 {
          %get3A = arith.index_cast %scan3A_46 : i32 to index
          %get3A_48 = tpu.vector_load %arg9[%get3A] {strides = array<i32>} : memref<144xf32, #tpu.memory_space<vmem>>, vector<16xf32>,
          %get3A_49 = vector.shape_cast %get3A_48 : vector<16xf32> to vector<16xf32>
          %slice3A = vector.extract_strided_slice %get3A_49 {offsets = [0], sizes = [1], strides = [1]} : vector<16xf32> to vector<1xf32>
          %squeeze3A = vector.extract %slice3A[0] : f32 from vector<1xf32>
          %get3A_50 = arith.index_cast %scan3A_46 : i32 to index
          %get3A_51 = arith.constant 0 : index
          %get3A_52 = tpu.vector_load %arg10[%get3A_50, %get3A_51] {strides = array<i32>} : memref<128x64xf32, #tpu.memory_space<vmem>>, vector<1x16xf32>,
          %get3A_53 = vector.shape_cast %get3A_52 : vector<1x16xf32> to vector<16xf32>
          %mul3A_54 = vector.broadcast %squeeze3A : f32 to vector<16xf32>
          %mul3A_55 = arith.mulf %get3A_53, %mul3A_54 : vector<16xf32>
          %swap3A = arith.index_cast %scan3A_46 : i32 to index
          %swap3A_56 = arith.constant 0 : index
          %swap3A_57 = tpu.vector_load %arg10[%swap3A, %swap3A_56] {strides = array<i32>} : memref<128x64xf32, #tpu.memory_space<vmem>>, vector<1x16xf32>,
          %swap3A_58 = vector.shape_cast %swap3A_57 : vector<1x16xf32> to vector<16xf32>
          %swap3A_59 = vector.shape_cast %mul3A_55 : vector<16xf32> to vector<1x16xf32>
          tpu.vector_store %arg10[%swap3A, %swap3A_56], %swap3A_59 {strides = array<i32>} : memref<128x64xf32, #tpu.memory_space<vmem>>, vector<1x16xf32>,
          %get3A_60 = arith.index_cast %scan3A_46 : i32 to index
          %get3A_61 = arith.constant 16 : index
          %get3A_62 = tpu.vector_load %arg10[%get3A_60, %get3A_61] {strides = array<i32>} : memref<128x64xf32, #tpu.memory_space<vmem>>, vector<1x16xf32>,
          %get3A_63 = vector.shape_cast %get3A_62 : vector<1x16xf32> to vector<16xf32>
          %mul3A_64 = vector.broadcast %squeeze3A : f32 to vector<16xf32>
          %mul3A_65 = arith.mulf %get3A_63, %mul3A_64 : vector<16xf32>
          %swap3A_66 = arith.index_cast %scan3A_46 : i32 to index
          %swap3A_67 = arith.constant 16 : index
          %swap3A_68 = tpu.vector_load %arg10[%swap3A_66, %swap3A_67] {strides = array<i32>} : memref<128x64xf32, #tpu.memory_space<vmem>>, vector<1x16xf32>,
          %swap3A_69 = vector.shape_cast %swap3A_68 : vector<1x16xf32> to vector<16xf32>
          %swap3A_70 = vector.shape_cast %mul3A_65 : vector<16xf32> to vector<1x16xf32>
          tpu.vector_store %arg10[%swap3A_66, %swap3A_67], %swap3A_70 {strides = array<i32>} : memref<128x64xf32, #tpu.memory_space<vmem>>, vector<1x16xf32>,
          %get3A_71 = arith.index_cast %scan3A_46 : i32 to index
          %get3A_72 = arith.constant 32 : index
          %get3A_73 = tpu.vector_load %arg10[%get3A_71, %get3A_72] {strides = array<i32>} : memref<128x64xf32, #tpu.memory_space<vmem>>, vector<1x16xf32>,
          %get3A_74 = vector.shape_cast %get3A_73 : vector<1x16xf32> to vector<16xf32>
          %mul3A_75 = vector.broadcast %squeeze3A : f32 to vector<16xf32>
          %mul3A_76 = arith.mulf %get3A_74, %mul3A_75 : vector<16xf32>
          %swap3A_77 = arith.index_cast %scan3A_46 : i32 to index
          %swap3A_78 = arith.constant 32 : index
          %swap3A_79 = tpu.vector_load %arg10[%swap3A_77, %swap3A_78] {strides = array<i32>} : memref<128x64xf32, #tpu.memory_space<vmem>>, vector<1x16xf32>,
          %swap3A_80 = vector.shape_cast %swap3A_79 : vector<1x16xf32> to vector<16xf32>
          %swap3A_81 = vector.shape_cast %mul3A_76 : vector<16xf32> to vector<1x16xf32>
          tpu.vector_store %arg10[%swap3A_77, %swap3A_78], %swap3A_81 {strides = array<i32>} : memref<128x64xf32, #tpu.memory_space<vmem>>, vector<1x16xf32>,
          %get3A_82 = arith.index_cast %scan3A_46 : i32 to index
          %get3A_83 = arith.constant 48 : index
          %get3A_84 = tpu.vector_load %arg10[%get3A_82, %get3A_83] {strides = array<i32>} : memref<128x64xf32, #tpu.memory_space<vmem>>, vector<1x16xf32>,
          %get3A_85 = vector.shape_cast %get3A_84 : vector<1x16xf32> to vector<16xf32>
          %mul3A_86 = vector.broadcast %squeeze3A : f32 to vector<16xf32>
          %mul3A_87 = arith.mulf %get3A_85, %mul3A_86 : vector<16xf32>
          %swap3A_88 = arith.index_cast %scan3A_46 : i32 to index
          %swap3A_89 = arith.constant 48 : index
          %swap3A_90 = tpu.vector_load %arg10[%swap3A_88, %swap3A_89] {strides = array<i32>} : memref<128x64xf32, #tpu.memory_space<vmem>>, vector<1x16xf32>,
          %swap3A_91 = vector.shape_cast %swap3A_90 : vector<1x16xf32> to vector<16xf32>
          %swap3A_92 = vector.shape_cast %mul3A_87 : vector<16xf32> to vector<1x16xf32>
          tpu.vector_store %arg10[%swap3A_88, %swap3A_89], %swap3A_92 {strides = array<i32>} : memref<128x64xf32, #tpu.memory_space<vmem>>, vector<1x16xf32>,
          %scan3A_93 = arith.constant 0 : i32
          scf.yield %scan3A_93 : i32
        }
        %scan3A_45 = arith.constant 128 : i32
        "tpu.region"() ({
          %run_scoped3A = tpu.sem_alloc : memref<!tpu.dma_semaphore, #tpu.memory_space<semaphore_mem>>
          %dma_start3A_46 = arith.constant 0 : i32
          %dma_start3A_47 = arith.constant 0 : i32
          %dma_start3A_48 = tpu.memref_slice %arg12[%dma_start3A_46, %dma_start3A_47] : memref<10000x64xf32, #tpu.memory_space<vmem_shared>> -> memref<10000x64xf32, #tpu.memory_space<vmem_shared>>
          tpu.enqueue_indirect_dma source(%arg10 : memref<128x64xf32, #tpu.memory_space<vmem>>) target(%dma_start3A_48 : memref<10000x64xf32, #tpu.memory_space<vmem_shared>>) offsets(%arg8 : memref<128xi32, #tpu.memory_space<vmem>>) semaphore(%run_scoped3A : memref<!tpu.dma_semaphore, #tpu.memory_space<semaphore_mem>>) {add = true}
          %dma_wait3A_49 = arith.constant 0 : i32
          %dma_wait3A_50 = arith.constant 0 : i32
          %dma_wait3A_51 = tpu.memref_slice %arg12[%dma_wait3A_49, %dma_wait3A_50] : memref<10000x64xf32, #tpu.memory_space<vmem_shared>> -> memref<10000x64xf32, #tpu.memory_space<vmem_shared>>
          tpu.wait_indirect_dma semaphore(%run_scoped3A : memref<!tpu.dma_semaphore, #tpu.memory_space<semaphore_mem>>) src(%arg10 : memref<128x64xf32, #tpu.memory_space<vmem>>) dst(%dma_wait3A_51 : memref<10000x64xf32, #tpu.memory_space<vmem_shared>>)
          tpu.yield
        }) : () -> ()
      } else {
      }
      %scan3A_32 = arith.constant 0 : i32
      scf.yield %scan3A_32 : i32
    }
    %scan3A_15 = arith.constant 79 : i32
    %barrier3A_16 = arith.constant 0 : index
    tpu.barrier barrier_id(%barrier3A_16)
    %lt3A_17 = arith.constant 10 : i32
    %lt3A_18 = arith.cmpi slt, %arg1, %lt3A_17 : i32
    %convert_element_type3A_19 = arith.extui %lt3A_18 : i1 to i32
    %cond3A_20 = arith.constant 0 : i32
    %cond3A_21 = arith.cmpi ne, %convert_element_type3A_19, %cond3A_20 : i32
    scf.if %cond3A_21 {
      %mul3A_22 = arith.constant 1000 : i32
      %mul3A_23 = arith.muli %arg1, %mul3A_22 : i32
      "tpu.region"() ({
        %run_scoped3A = tpu.sem_alloc : memref<!tpu.dma_semaphore, #tpu.memory_space<semaphore_mem>>
        %dma_start3A = arith.constant 0 : i32
        %dma_start3A_29 = tpu.memref_slice %arg12[%mul3A_23, %dma_start3A] : memref<10000x64xf32, #tpu.memory_space<vmem_shared>> -> memref<1000x64xf32, #tpu.memory_space<vmem_shared>>
        %dma_start3A_30 = arith.constant 0 : i32
        %dma_start3A_31 = tpu.memref_slice %arg12[%mul3A_23, %dma_start3A_30] : memref<10000x64xf32, #tpu.memory_space<vmem_shared>> -> memref<1000x64xf32, #tpu.memory_space<vmem_shared>>
        tpu.enqueue_dma source(%dma_start3A_31 : memref<1000x64xf32, #tpu.memory_space<vmem_shared>>) target(%arg11 : memref<1000x64xf32, #tpu.memory_space<vmem>>) target_semaphore(%run_scoped3A : memref<!tpu.dma_semaphore, #tpu.memory_space<semaphore_mem>>)
        %dma_wait3A = arith.constant 0 : i32
        %dma_wait3A_32 = tpu.memref_slice %arg12[%mul3A_23, %dma_wait3A] : memref<10000x64xf32, #tpu.memory_space<vmem_shared>> -> memref<1000x64xf32, #tpu.memory_space<vmem_shared>>
        %dma_wait3A_33 = arith.constant 0 : i32
        %dma_wait3A_34 = tpu.memref_slice %arg12[%mul3A_23, %dma_wait3A_33] : memref<10000x64xf32, #tpu.memory_space<vmem_shared>> -> memref<1000x64xf32, #tpu.memory_space<vmem_shared>>
        tpu.wait_dma2 semaphore(%run_scoped3A : memref<!tpu.dma_semaphore, #tpu.memory_space<semaphore_mem>>) src(%dma_wait3A_34 : memref<1000x64xf32, #tpu.memory_space<vmem_shared>>) dst(%arg11 : memref<1000x64xf32, #tpu.memory_space<vmem>>)
        tpu.yield
      }) : () -> ()
      %mul3A_24 = arith.constant 10000 : i32
      %mul3A_25 = arith.muli %arg0, %mul3A_24 : i32
      %mul3A_26 = arith.constant 1000 : i32
      %mul3A_27 = arith.muli %arg1, %mul3A_26 : i32
      %add3A_28 = arith.addi %mul3A_25, %mul3A_27 : i32
      "tpu.region"() ({
        %run_scoped3A = tpu.sem_alloc : memref<!tpu.dma_semaphore, #tpu.memory_space<semaphore_mem>>
        %dma_start3A = arith.constant 0 : i32
        %dma_start3A_29 = tpu.memref_slice %arg6[%add3A_28, %dma_start3A] : memref<20000x64xf32, #tpu.memory_space<hbm>> -> memref<1000x64xf32, #tpu.memory_space<hbm>>
        %dma_start3A_30 = arith.constant 0 : i32
        %dma_start3A_31 = tpu.memref_slice %arg6[%add3A_28, %dma_start3A_30] : memref<20000x64xf32, #tpu.memory_space<hbm>> -> memref<1000x64xf32, #tpu.memory_space<hbm>>
        tpu.enqueue_dma source(%arg11 : memref<1000x64xf32, #tpu.memory_space<vmem>>) target(%dma_start3A_31 : memref<1000x64xf32, #tpu.memory_space<hbm>>) target_semaphore(%run_scoped3A : memref<!tpu.dma_semaphore, #tpu.memory_space<semaphore_mem>>)
        %dma_wait3A = arith.constant 0 : i32
        %dma_wait3A_32 = tpu.memref_slice %arg6[%add3A_28, %dma_wait3A] : memref<20000x64xf32, #tpu.memory_space<hbm>> -> memref<1000x64xf32, #tpu.memory_space<hbm>>
        %dma_wait3A_33 = arith.constant 0 : i32
        %dma_wait3A_34 = tpu.memref_slice %arg6[%add3A_28, %dma_wait3A_33] : memref<20000x64xf32, #tpu.memory_space<hbm>> -> memref<1000x64xf32, #tpu.memory_space<hbm>>
        tpu.wait_dma2 semaphore(%run_scoped3A : memref<!tpu.dma_semaphore, #tpu.memory_space<semaphore_mem>>) src(%arg11 : memref<1000x64xf32, #tpu.memory_space<vmem>>) dst(%dma_wait3A_34 : memref<1000x64xf32, #tpu.memory_space<hbm>>)
        tpu.yield
      }) : () -> ()
    } else {
    }
    return
  }
}

module attributes {stable_mosaic.version = 14 : i64} {
  func.func @_embed_body(%arg0: memref<10000x128xf32, #tpu.memory_space<vmem>>, %arg1: memref<128x64xf32, #tpu.memory_space<vmem>>, %arg2: memref<1x64xf32, #tpu.memory_space<vmem>>, %arg3: memref<10000x64xf32, #tpu.memory_space<vmem>>) attributes {dimension_semantics = [], scalar_prefetch = 0 : i64, scratch_operands = 0 : i64, tpu.core_type = #tpu.core_type<tc>} {
    %get3A = arith.constant 0 : index
    %get3A_0 = arith.constant 0 : index
    %get3A_1 = vector.load %arg0[%get3A, %get3A_0] : memref<10000x128xf32, #tpu.memory_space<vmem>>, vector<10000x128xf32>
    %get3A_2 = arith.constant 0 : index
    %get3A_3 = arith.constant 0 : index
    %get3A_4 = vector.load %arg1[%get3A_2, %get3A_3] : memref<128x64xf32, #tpu.memory_space<vmem>>, vector<128x64xf32>
    %dot_general3A = arith.constant dense<0.000000e+00> : vector<10000x64xf32>
    %dot_general3A_5 = tpu.matmul %get3A_1, %get3A_4, %dot_general3A {dimension_numbers = #tpu.dot_dimension_numbers<[1], [0], [0], [1], [0, 0, 1, 1], [], []>, transpose_lhs_hint = false} : vector<10000x128xf32>, vector<128x64xf32>, vector<10000x64xf32> -> vector<10000x64xf32>
    %get3A_6 = arith.constant 0 : index
    %get3A_7 = arith.constant 0 : index
    %get3A_8 = vector.load %arg2[%get3A_6, %get3A_7] : memref<1x64xf32, #tpu.memory_space<vmem>>, vector<1x64xf32>
    %add3A = vector.broadcast %get3A_8 : vector<1x64xf32> to vector<10000x64xf32>
    %add3A_9 = arith.addf %dot_general3A_5, %add3A : vector<10000x64xf32>
    %swap3A = arith.constant 0 : index
    %swap3A_10 = arith.constant 0 : index
    %swap3A_11 = vector.load %arg3[%swap3A, %swap3A_10] : memref<10000x64xf32, #tpu.memory_space<vmem>>, vector<10000x64xf32>
    tpu.vector_store %arg3[%swap3A, %swap3A_10], %add3A_9 {strides = array<i32>} : memref<10000x64xf32, #tpu.memory_space<vmem>>, vector<10000x64xf32>,
    return
  }
}

module attributes {stable_mosaic.version = 14 : i64} {
  func.func @_layer_body(%arg0: memref<20000x64xf32, #tpu.memory_space<vmem>>, %arg1: memref<10000x64xf32, #tpu.memory_space<vmem>>, %arg2: memref<64x64xf32, #tpu.memory_space<vmem>>, %arg3: memref<1x64xf32, #tpu.memory_space<vmem>>, %arg4: memref<64x64xf32, #tpu.memory_space<vmem>>, %arg5: memref<1x64xf32, #tpu.memory_space<vmem>>, %arg6: memref<1x64xf32, #tpu.memory_space<vmem>>, %arg7: memref<10000x64xf32, #tpu.memory_space<vmem>>) attributes {dimension_semantics = [], scalar_prefetch = 0 : i64, scratch_operands = 0 : i64, tpu.core_type = #tpu.core_type<tc>} {
    %get3A = arith.constant 0 : index
    %get3A_0 = arith.constant 0 : index
    %get3A_1 = vector.load %arg0[%get3A, %get3A_0] : memref<20000x64xf32, #tpu.memory_space<vmem>>, vector<10000x64xf32>
    %get3A_2 = arith.constant 10000 : index
    %get3A_3 = arith.constant 0 : index
    %get3A_4 = vector.load %arg0[%get3A_2, %get3A_3] : memref<20000x64xf32, #tpu.memory_space<vmem>>, vector<10000x64xf32>
    %add3A = arith.addf %get3A_1, %get3A_4 : vector<10000x64xf32>
    %get3A_5 = arith.constant 0 : index
    %get3A_6 = arith.constant 0 : index
    %get3A_7 = vector.load %arg2[%get3A_5, %get3A_6] : memref<64x64xf32, #tpu.memory_space<vmem>>, vector<64x64xf32>
    %dot_general3A = arith.constant dense<0.000000e+00> : vector<10000x64xf32>
    %dot_general3A_8 = tpu.matmul %add3A, %get3A_7, %dot_general3A {dimension_numbers = #tpu.dot_dimension_numbers<[1], [0], [0], [1], [0, 0, 1, 1], [], []>, transpose_lhs_hint = false} : vector<10000x64xf32>, vector<64x64xf32>, vector<10000x64xf32> -> vector<10000x64xf32>
    %get3A_9 = arith.constant 0 : index
    %get3A_10 = arith.constant 0 : index
    %get3A_11 = vector.load %arg3[%get3A_9, %get3A_10] : memref<1x64xf32, #tpu.memory_space<vmem>>, vector<1x64xf32>
    %add3A_12 = vector.broadcast %get3A_11 : vector<1x64xf32> to vector<10000x64xf32>
    %add3A_13 = arith.addf %dot_general3A_8, %add3A_12 : vector<10000x64xf32>
    %get3A_14 = arith.constant 0 : index
    %get3A_15 = arith.constant 0 : index
    %get3A_16 = vector.load %arg1[%get3A_14, %get3A_15] : memref<10000x64xf32, #tpu.memory_space<vmem>>, vector<10000x64xf32>
    %get3A_17 = arith.constant 0 : index
    %get3A_18 = arith.constant 0 : index
    %get3A_19 = vector.load %arg4[%get3A_17, %get3A_18] : memref<64x64xf32, #tpu.memory_space<vmem>>, vector<64x64xf32>
    %dot_general3A_20 = arith.constant dense<0.000000e+00> : vector<10000x64xf32>
    %dot_general3A_21 = tpu.matmul %get3A_16, %get3A_19, %dot_general3A_20 {dimension_numbers = #tpu.dot_dimension_numbers<[1], [0], [0], [1], [0, 0, 1, 1], [], []>, transpose_lhs_hint = false} : vector<10000x64xf32>, vector<64x64xf32>, vector<10000x64xf32> -> vector<10000x64xf32>
    %add3A_22 = arith.addf %add3A_13, %dot_general3A_21 : vector<10000x64xf32>
    %reduce_sum3A = arith.constant dense<0.000000e+00> : vector<64xf32>
    %reduce_sum3A_23 = vector.multi_reduction <add>, %add3A_22, %reduce_sum3A [0] : vector<10000x64xf32> to vector<64xf32>
    %broadcast_in_dim3A = vector.shape_cast %reduce_sum3A_23 : vector<64xf32> to vector<1x64xf32>
    %div3A = arith.constant 1.000000e+04 : f32
    %div3A_24 = vector.broadcast %div3A : f32 to vector<1x64xf32>
    %div3A_25 = arith.divf %broadcast_in_dim3A, %div3A_24 : vector<1x64xf32>
    %sub3A = vector.broadcast %div3A_25 : vector<1x64xf32> to vector<10000x64xf32>
    %sub3A_26 = arith.subf %add3A_22, %sub3A : vector<10000x64xf32>
    %sub3A_27 = vector.broadcast %div3A_25 : vector<1x64xf32> to vector<10000x64xf32>
    %sub3A_28 = arith.subf %add3A_22, %sub3A_27 : vector<10000x64xf32>
    %mul3A = arith.mulf %sub3A_26, %sub3A_28 : vector<10000x64xf32>
    %reduce_sum3A_29 = arith.constant dense<0.000000e+00> : vector<64xf32>
    %reduce_sum3A_30 = vector.multi_reduction <add>, %mul3A, %reduce_sum3A_29 [0] : vector<10000x64xf32> to vector<64xf32>
    %broadcast_in_dim3A_31 = vector.shape_cast %reduce_sum3A_30 : vector<64xf32> to vector<1x64xf32>
    %div3A_32 = arith.constant 1.000000e+04 : f32
    %div3A_33 = vector.broadcast %div3A_32 : f32 to vector<1x64xf32>
    %div3A_34 = arith.divf %broadcast_in_dim3A_31, %div3A_33 : vector<1x64xf32>
    %get3A_35 = arith.constant 0 : index
    %get3A_36 = arith.constant 0 : index
    %get3A_37 = vector.load %arg5[%get3A_35, %get3A_36] : memref<1x64xf32, #tpu.memory_space<vmem>>, vector<1x64xf32>
    %sub3A_38 = vector.broadcast %div3A_25 : vector<1x64xf32> to vector<10000x64xf32>
    %sub3A_39 = arith.subf %add3A_22, %sub3A_38 : vector<10000x64xf32>
    %mul3A_40 = vector.broadcast %get3A_37 : vector<1x64xf32> to vector<10000x64xf32>
    %mul3A_41 = arith.mulf %mul3A_40, %sub3A_39 : vector<10000x64xf32>
    %add3A_42 = arith.constant 9.99999974E-6 : f32
    %add3A_43 = vector.broadcast %add3A_42 : f32 to vector<1x64xf32>
    %add3A_44 = arith.addf %div3A_34, %add3A_43 : vector<1x64xf32>
    %rsqrt3A = math.rsqrt %add3A_44 : vector<1x64xf32>
    %mul3A_45 = vector.broadcast %rsqrt3A : vector<1x64xf32> to vector<10000x64xf32>
    %mul3A_46 = arith.mulf %mul3A_41, %mul3A_45 : vector<10000x64xf32>
    %get3A_47 = arith.constant 0 : index
    %get3A_48 = arith.constant 0 : index
    %get3A_49 = vector.load %arg6[%get3A_47, %get3A_48] : memref<1x64xf32, #tpu.memory_space<vmem>>, vector<1x64xf32>
    %add3A_50 = vector.broadcast %get3A_49 : vector<1x64xf32> to vector<10000x64xf32>
    %add3A_51 = arith.addf %mul3A_46, %add3A_50 : vector<10000x64xf32>
    %max3A = arith.constant 0.000000e+00 : f32
    %max3A_52 = vector.broadcast %max3A : f32 to vector<10000x64xf32>
    %max3A_53 = arith.maximumf %add3A_51, %max3A_52 : vector<10000x64xf32>
    %swap3A = arith.constant 0 : index
    %swap3A_54 = arith.constant 0 : index
    %swap3A_55 = vector.load %arg7[%swap3A, %swap3A_54] : memref<10000x64xf32, #tpu.memory_space<vmem>>, vector<10000x64xf32>
    tpu.vector_store %arg7[%swap3A, %swap3A_54], %max3A_53 {strides = array<i32>} : memref<10000x64xf32, #tpu.memory_space<vmem>>, vector<10000x64xf32>,
    return
  }
}

module attributes {stable_mosaic.version = 14 : i64} {
  func.func @_pool_mlp_body(%arg0: memref<10000x64xf32, #tpu.memory_space<vmem>>, %arg1: memref<10x1000xi32, #tpu.memory_space<vmem>>, %arg2: memref<64x128xf32, #tpu.memory_space<vmem>>, %arg3: memref<1x128xf32, #tpu.memory_space<vmem>>, %arg4: memref<128x64xf32, #tpu.memory_space<vmem>>, %arg5: memref<1x64xf32, #tpu.memory_space<vmem>>, %arg6: memref<64x1xf32, #tpu.memory_space<vmem>>, %arg7: memref<1x1xf32, #tpu.memory_space<vmem>>, %arg8: memref<512x1xf32, #tpu.memory_space<vmem>>) attributes {dimension_semantics = [], scalar_prefetch = 0 : i64, scratch_operands = 0 : i64, tpu.core_type = #tpu.core_type<tc>} {
    %iota3A = tpu.iota {dimensions = array<i32: 0>} : vector<512x1000xi32>
    %broadcast_in_dim3A = arith.constant 0.000000e+00 : f32
    %broadcast_in_dim3A_0 = vector.broadcast %broadcast_in_dim3A : f32 to vector<512x64xf32>
    %broadcast_in_dim3A_1 = arith.constant 0.000000e+00 : f32
    %broadcast_in_dim3A_2 = vector.broadcast %broadcast_in_dim3A_1 : f32 to vector<512x1xf32>
    %scan3A = arith.constant 0 : i32
    %scan3A_3 = arith.constant 10 : i32
    %scan3A_4 = arith.addi %scan3A, %scan3A_3 : i32
    %scan3A_5 = arith.constant 1 : i32
    %scan3A_6:2 = scf.for %scan3A_49 = %scan3A to %scan3A_4 step %scan3A_5 iter_args(%scan3A_50 = %broadcast_in_dim3A_0, %scan3A_51 = %broadcast_in_dim3A_2) -> (vector<512x64xf32>, vector<512x1xf32>)  : i32 {
      %get3A_52 = arith.index_cast %scan3A_49 : i32 to index
      %get3A_53 = arith.constant 0 : index
      %get3A_54 = vector.load %arg1[%get3A_52, %get3A_53] : memref<10x1000xi32, #tpu.memory_space<vmem>>, vector<1x1000xi32>
      %get3A_55 = vector.shape_cast %get3A_54 : vector<1x1000xi32> to vector<1000xi32>
      %broadcast_in_dim3A_56 = vector.shape_cast %get3A_55 : vector<1000xi32> to vector<1x1000xi32>
      %eq3A = vector.broadcast %broadcast_in_dim3A_56 : vector<1x1000xi32> to vector<512x1000xi32>
      %eq3A_57 = arith.cmpi eq, %eq3A, %iota3A : vector<512x1000xi32>
      %convert_element_type3A_58 = arith.extui %eq3A_57 : vector<512x1000xi1> to vector<512x1000xi32>
      %convert_element_type3A_59 = arith.sitofp %convert_element_type3A_58 : vector<512x1000xi32> to vector<512x1000xf32>
      %mul3A = arith.constant 1000 : i32
      %mul3A_60 = arith.muli %scan3A_49, %mul3A : i32
      %get3A_61 = arith.index_cast %mul3A_60 : i32 to index
      %get3A_62 = arith.constant 0 : index
      %get3A_63 = vector.load %arg0[%get3A_61, %get3A_62] : memref<10000x64xf32, #tpu.memory_space<vmem>>, vector<1000x64xf32>
      %dot_general3A_64 = arith.constant dense<0.000000e+00> : vector<512x64xf32>
      %dot_general3A_65 = tpu.matmul %convert_element_type3A_59, %get3A_63, %dot_general3A_64 {dimension_numbers = #tpu.dot_dimension_numbers<[1], [0], [0], [1], [0, 0, 1, 1], [], []>, transpose_lhs_hint = false} : vector<512x1000xf32>, vector<1000x64xf32>, vector<512x64xf32> -> vector<512x64xf32>
      %add3A_66 = arith.addf %scan3A_50, %dot_general3A_65 : vector<512x64xf32>
      %reduce_sum3A = arith.constant dense<0.000000e+00> : vector<512xf32>
      %reduce_sum3A_67 = vector.multi_reduction <add>, %convert_element_type3A_59, %reduce_sum3A [1] : vector<512x1000xf32> to vector<512xf32>
      %broadcast_in_dim3A_68 = vector.shape_cast %reduce_sum3A_67 : vector<512xf32> to vector<512x1xf32>
      %add3A_69 = arith.addf %scan3A_51, %broadcast_in_dim3A_68 : vector<512x1xf32>
      scf.yield %add3A_66, %add3A_69 : vector<512x64xf32>, vector<512x1xf32>
    }
    %scan3A_7 = arith.constant 10 : i32
    %max3A = arith.constant 1.000000e+00 : f32
    %max3A_8 = vector.broadcast %max3A : f32 to vector<512x1xf32>
    %max3A_9 = arith.maximumf %scan3A_6#1, %max3A_8 : vector<512x1xf32>
    %div3A = vector.broadcast %max3A_9 : vector<512x1xf32> to vector<512x64xf32>
    %div3A_10 = arith.divf %scan3A_6#0, %div3A : vector<512x64xf32>
    %get3A = arith.constant 0 : index
    %get3A_11 = arith.constant 0 : index
    %get3A_12 = vector.load %arg2[%get3A, %get3A_11] : memref<64x128xf32, #tpu.memory_space<vmem>>, vector<64x128xf32>
    %dot_general3A = arith.constant dense<0.000000e+00> : vector<512x128xf32>
    %dot_general3A_13 = tpu.matmul %div3A_10, %get3A_12, %dot_general3A {dimension_numbers = #tpu.dot_dimension_numbers<[1], [0], [0], [1], [0, 0, 1, 1], [], []>, transpose_lhs_hint = false} : vector<512x64xf32>, vector<64x128xf32>, vector<512x128xf32> -> vector<512x128xf32>
    %get3A_14 = arith.constant 0 : index
    %get3A_15 = arith.constant 0 : index
    %get3A_16 = vector.load %arg3[%get3A_14, %get3A_15] : memref<1x128xf32, #tpu.memory_space<vmem>>, vector<1x128xf32>
    %add3A = vector.broadcast %get3A_16 : vector<1x128xf32> to vector<512x128xf32>
    %add3A_17 = arith.addf %dot_general3A_13, %add3A : vector<512x128xf32>
    %max3A_18 = arith.constant 0.000000e+00 : f32
    %max3A_19 = vector.broadcast %max3A_18 : f32 to vector<512x128xf32>
    %max3A_20 = arith.maximumf %add3A_17, %max3A_19 : vector<512x128xf32>
    %get3A_21 = arith.constant 0 : index
    %get3A_22 = arith.constant 0 : index
    %get3A_23 = vector.load %arg4[%get3A_21, %get3A_22] : memref<128x64xf32, #tpu.memory_space<vmem>>, vector<128x64xf32>
    %dot_general3A_24 = arith.constant dense<0.000000e+00> : vector<512x64xf32>
    %dot_general3A_25 = tpu.matmul %max3A_20, %get3A_23, %dot_general3A_24 {dimension_numbers = #tpu.dot_dimension_numbers<[1], [0], [0], [1], [0, 0, 1, 1], [], []>, transpose_lhs_hint = false} : vector<512x128xf32>, vector<128x64xf32>, vector<512x64xf32> -> vector<512x64xf32>
    %get3A_26 = arith.constant 0 : index
    %get3A_27 = arith.constant 0 : index
    %get3A_28 = vector.load %arg5[%get3A_26, %get3A_27] : memref<1x64xf32, #tpu.memory_space<vmem>>, vector<1x64xf32>
    %add3A_29 = vector.broadcast %get3A_28 : vector<1x64xf32> to vector<512x64xf32>
    %add3A_30 = arith.addf %dot_general3A_25, %add3A_29 : vector<512x64xf32>
    %max3A_31 = arith.constant 0.000000e+00 : f32
    %max3A_32 = vector.broadcast %max3A_31 : f32 to vector<512x64xf32>
    %max3A_33 = arith.maximumf %add3A_30, %max3A_32 : vector<512x64xf32>
    %get3A_34 = arith.constant 0 : index
    %get3A_35 = arith.constant 0 : index
    %get3A_36 = vector.load %arg6[%get3A_34, %get3A_35] : memref<64x1xf32, #tpu.memory_space<vmem>>, vector<64x1xf32>
    %dot_general3A_37 = arith.constant dense<0.000000e+00> : vector<512x1xf32>
    %dot_general3A_38 = tpu.matmul %max3A_33, %get3A_36, %dot_general3A_37 {dimension_numbers = #tpu.dot_dimension_numbers<[1], [0], [0], [1], [0, 0, 1, 1], [], []>, transpose_lhs_hint = false} : vector<512x64xf32>, vector<64x1xf32>, vector<512x1xf32> -> vector<512x1xf32>
    %get3A_39 = arith.constant 0 : index
    %get3A_40 = arith.constant 0 : index
    %get3A_41 = vector.load %arg7[%get3A_39, %get3A_40] : memref<1x1xf32, #tpu.memory_space<vmem>>, vector<1x1xf32>
    %add3A_42 = vector.broadcast %get3A_41 : vector<1x1xf32> to vector<512x1xf32>
    %add3A_43 = arith.addf %dot_general3A_38, %add3A_42 : vector<512x1xf32>
    %gt3A = arith.constant 0.000000e+00 : f32
    %gt3A_44 = vector.broadcast %gt3A : f32 to vector<512x1xf32>
    %gt3A_45 = arith.cmpf ogt, %add3A_43, %gt3A_44 : vector<512x1xf32>
    %convert_element_type3A = arith.extui %gt3A_45 : vector<512x1xi1> to vector<512x1xi32>
    %convert_element_type3A_46 = arith.sitofp %convert_element_type3A : vector<512x1xi32> to vector<512x1xf32>
    %swap3A = arith.constant 0 : index
    %swap3A_47 = arith.constant 0 : index
    %swap3A_48 = vector.load %arg8[%swap3A, %swap3A_47] : memref<512x1xf32, #tpu.memory_space<vmem>>, vector<512x1xf32>
    tpu.vector_store %arg8[%swap3A, %swap3A_47], %convert_element_type3A_46 {strides = array<i32>} : memref<512x1xf32, #tpu.memory_space<vmem>>, vector<512x1xf32>,
    return
  }
}

</mosaic_0001>

<sc_bundles>
// kernel: kernel.10.cloned.1.call-start
scs
__scs_entry_jumppad:
0x0: {  	(pc) =	sbr.rel $0x88, $3  }
0x1: {  	(tag) =	ssettag $0x0;
	lr =	simm.s32 $0x1  }
0x2: {  	[smem:$0x3F86] =	sst lr;
	_ =	strace $0xD0000000  }
0x3: {  	_ = 	snop  }
0x4: {  	_ = 	snop  }
0x5: {  	_ = 	snop  }
0x6: {  	_ = 	snop  }
0x7: {  	_ = 	snop  }
__scs_overlays_trampoline_lowered:
0x8: {  	[smem:$0x3F95] =	sst s0  }
0x9: {  	[smem:$0x3F96] =	sst s1  }
0xa: {  	[smem:$0x3F97] =	sst s2  }
0xb: {  	[smem:$0x3F98] =	sst s3  }
0xc: {  	[smem:$0x3F99] =	sst s4  }
0xd: {  	[smem:$0x3F9A] =	sst s5  }
0xe: {  	[smem:$0x3F9B] =	sst s6  }
0xf: {  	[smem:$0x3F9C] =	sst s7  }
0x10: {  	[smem:$0x3F9D] =	sst s8  }
0x11: {  	[smem:$0x3F9E] =	sst s9;
	s0 =	simm.s32 @!p0 $0x0  }
0x12: {  	s1 =	sld [smem:$0x3F84];
	s0 =	simm.s32 @p0 $0x1  }
0x13: {  	[smem:$0x3F9F] =	sst s0;
	s0 =	simm.s32 @!p1 $0x0  }
0x14: {  	s2 =	sld [smem:$0x3F83];
	s0 =	simm.s32 @p1 $0x1  }
0x15: {  	[smem:$0x3FA0] =	sst s0;
	s0 =	simm.s32 @!p2 $0x0  }
0x16: {  	s3 =	sld [smem:$0x3FDB];
	s0 =	simm.s32 @p2 $0x1  }
0x17: {  	s4 =	simm.s32 $0x1BF5;
	[smem:$0x3FA2] =	sst s0  }
0x18: {  	s0 =	sld [smem:$0x3F85];
	_ =	swait.ge [sflag:s4], $0x0  }
0x19: {  	s7 =	sld [smem:$0x3F86]  }
0x1a: {  	s8 =	sadd.s32 $0xFFFFE003, lr  }
0x1b: {  	s9 =	sadd.s32 $0xFFFFFEF7, lr;
	s5 =	simm.s32 $0xFFFFFFFF;
	p2 =	slt.u32 s8, $0xFFFFF086  }
0x1c: {  	p1 =	slt.u32 s9, $0xF7A;
	s5 =	simm.s32 @!p2 $0x0  }
0x1d: {  	s5 =	simm.s32 @p1 $0x1;
	p0 =	seq.s32 s7, s2  }
0x1e: {  	s7 =	smul.u32 @!p0 $0xF7A, s2;
	p2 =	seq.s32 @!p0 s5, $0x0  }
0x1f: {  	s9 =	smul.u32 $0xF7A, s1;
	s8 =	simm.s32 @!p0 $0x1BF5;
	p2 =	por !p2, p0  }
0x20: {  	[sflag:s8] =	ssyncset.s32 @!p0 $0xFFFFF086;
	s6 =	sadd.s32 @!p0 s3, s7;
	s7 =	simm.s32 @!p0 $0x108  }
0x21: {  	s3 =	sadd.s32 s3, s9;
	s6 =	sadd.s32 @!p0 $0x88, s6;
	s7 =	simm.s32 @p2 $0x1082  }
0x22: {  	[simem:s7], [sflag:s8] =	dma.local @!p0 [hbm:s6], $0xF7A  }
0x23: {  	s9 =	sor.u32 $0xD0000000, s2;
	s6 =	simm.s32 $0x108;
	_ =	swait.ge @!p0 [sflag:s8], $0x0  }
0x24: {  	s3 =	sadd.s32 $0x88, s3;
	s6 =	simm.s32 @!p1 $0x1082;
	[sflag:s4] =	ssyncset.s32 $0xFFFFF086  }
0x25: {  	[simem:s6], [sflag:s4] =	dma.local [hbm:s3], $0xF7A  }
0x26: {  	[smem:$0x3F86] =	sst s1;
	(tag) =	ssettag s2;
	_ =	strace s9  }
0x27: {  	s1 =	sld [smem:$0x3F96]  }
0x28: {  	s2 =	sld [smem:$0x3F97]  }
0x29: {  	s4 =	sld [smem:$0x3F99]  }
0x2a: {  	p0 =	seq.s32 s5, $0x0;
	s5 =	sld [smem:$0x3F9A]  }
0x2b: {  	s6 =	sld [smem:$0x3F9B]  }
0x2c: {  	s7 =	sld [smem:$0x3F9C]  }
0x2d: {  	s3 =	simm.s32 $0x108;
	s8 =	sld [smem:$0x3F9D]  }
0x2e: {  	s3 =	simm.s32 @!p0 $0x1082;
	s9 =	sld [smem:$0x3F9E]  }
0x2f: {  	lr =	sadd.s32 s0, s3;
	s0 =	sld [smem:$0x3F95]  }
0x30: {  	s3 =	sld [smem:$0x3F98]  }
0x31: {  	[smem:$0x3FA1] =	sst s10  }
0x32: {  	s10 =	sld [smem:$0x3F9F];
	_ =	sdelay $0x3  }
0x33: {  	p0 =	seq.s32 s10, $0x1;
	s10 =	sld [smem:$0x3FA1];
	_ =	sdelay $0x3  }
0x34: {  	[smem:$0x3FA1] =	sst s10  }
0x35: {  	s10 =	sld [smem:$0x3FA0];
	_ =	sdelay $0x3  }
0x36: {  	p1 =	seq.s32 s10, $0x1;
	s10 =	sld [smem:$0x3FA1];
	_ =	sdelay $0x3  }
0x37: {  	[smem:$0x3FA1] =	sst s10  }
0x38: {  	s10 =	sld [smem:$0x3FA2]  }
0x39: {  	_ = 	snop;
	(pc) =	sbr.ind lr, $3  }
0x3a: {  	_ = 	snop  }
0x3b: {  	_ = 	snop  }
0x3c: {  	p2 =	seq.s32 s10, $0x1;
	s10 =	sld [smem:$0x3FA1]  }
0x3d: {  	_ =	shalt  }
0x3e: {  	_ =	shalt  }
0x3f: {  	_ =	shalt  }
0x40: {  	_ =	shalt  }
0x41: {  	_ =	shalt  }
0x42: {  	_ =	shalt  }
0x43: {  	_ =	shalt  }
0x44: {  	_ =	shalt  }
0x45: {  	_ =	shalt  }
0x46: {  	_ =	shalt  }
0x47: {  	_ =	shalt  }
0x48: {  	_ =	shalt  }
0x49: {  	_ =	shalt  }
0x4a: {  	_ =	shalt  }
0x4b: {  	_ =	shalt  }
0x4c: {  	_ =	shalt  }
0x4d: {  	_ =	shalt  }
0x4e: {  	_ =	shalt  }
0x4f: {  	_ =	shalt  }
0x50: {  	_ =	shalt  }
0x51: {  	_ =	shalt  }
0x52: {  	_ =	shalt  }
0x53: {  	_ =	shalt  }
0x54: {  	_ =	shalt  }
0x55: {  	_ =	shalt  }
0x56: {  	_ =	shalt  }
0x57: {  	_ =	shalt  }
0x58: {  	_ =	shalt  }
0x59: {  	_ =	shalt  }
0x5a: {  	_ =	shalt  }
0x5b: {  	_ =	shalt  }
0x5c: {  	_ =	shalt  }
0x5d: {  	_ =	shalt  }
0x5e: {  	_ =	shalt  }
0x5f: {  	_ =	shalt  }
0x60: {  	_ =	shalt  }
0x61: {  	_ =	shalt  }
0x62: {  	_ =	shalt  }
0x63: {  	_ =	shalt  }
0x64: {  	_ =	shalt  }
0x65: {  	_ =	shalt  }
0x66: {  	_ =	shalt  }
0x67: {  	_ =	shalt  }
0x68: {  	_ =	shalt  }
0x69: {  	_ =	shalt  }
0x6a: {  	_ =	shalt  }
0x6b: {  	_ =	shalt  }
0x6c: {  	_ =	shalt  }
0x6d: {  	_ =	shalt  }
0x6e: {  	_ =	shalt  }
0x6f: {  	_ =	shalt  }
0x70: {  	_ =	shalt  }
0x71: {  	_ =	shalt  }
0x72: {  	_ =	shalt  }
0x73: {  	_ =	shalt  }
0x74: {  	_ =	shalt  }
0x75: {  	_ =	shalt  }
0x76: {  	_ =	shalt  }
0x77: {  	_ =	shalt  }
0x78: {  	_ =	shalt  }
0x79: {  	_ =	shalt  }
0x7a: {  	_ =	shalt  }
0x7b: {  	_ =	shalt  }
0x7c: {  	_ =	shalt  }
0x7d: {  	_ =	shalt  }
0x7e: {  	_ =	shalt  }
0x7f: {  	_ =	shalt  }
0x80: {  	_ =	shalt  }
0x81: {  	_ =	shalt  }
0x82: {  	_ =	shalt  }
0x83: {  	_ =	shalt  }
0x84: {  	_ =	shalt  }
0x85: {  	_ =	shalt  }
0x86: {  	_ =	shalt  }
0x87: {  	_ =	shalt  }
.Lfunc_end0:
.L_simem_size_0:
called_computation_lowered:
.L_overlay_start_0:
0x88: {  	s2 =	sld [smem:$0x3FD9]  }
0x89: {  	s3 =	sld [smem:$0x3FFE];
	_ =	sdelay $0x1  }
0x8a: {  	s1 =	srdreg.scid  }
0x8b: {  	s0 =	sand.u32 $0x1, s1  }
0x8c: {  	s16 =	sshll.u32 s0, $0xA;
	s2 =	sadd.s32 s3, s2  }
0x8d: {  	s2 =	sadd.s32 s2, s16  }
0x8e: {  	[smem:$0x3FAD] =	sst s2  }
0x8f: {  	_ = 	snop  }
0x90: {  	(tm) =	ssettm $0x1  }
0x91: {  	s17 =	sld [smem:$0x3FFB];
	_ =	sdelay $0x3  }
0x92: {  	_ =	strace s17  }
0x93: {  	s2 =	sld [smem:$0x3FFC];
	_ =	sdelay $0x3  }
0x94: {  	_ =	strace s2  }
0x95: {  	s2 =	sld [smem:$0x3FFD];
	_ =	sdelay $0x3  }
0x96: {  	_ =	strace s2  }
0x97: {  	_ =	strace $0x8FFFFFFF  }
0x98: {  	s18 =	sld [smem:$0x3FDB];
	_ =	sdelay $0x1  }
0x99: {  	s19 =	simm.s32 $_scs_section_size  }
0x9a: {  	s4 =	simm.s32 $_size__tile_overlayer_lowered;
	s5 =	simm.s32 $_tile_overlayer_lowered  }
0x9b: {  	s22 =	simm.s32 $0x1BFF;
	s21 =	sshll.u32 s5, $0x1;
	s2 =	sadd.s32 s19, s18  }
0x9c: {  	s6 =	simm.s32 $0x0;
	s20 =	sshll.u32 s4, $0x1;
	s4 =	sadd.s32 s21, s2  }
0x9d: {  	[timem:s6], [sflag:s22] =	dma.local [hbm:s4], s20  }
0x9e: {  	_ =	swait.ge [sflag:s22], s20  }
0x9f: {  	s3 =	ssub.s32 $0x0, s20;
	[sflag:s22] =	ssyncset.done $0x0  }
0xa0: {  	[sflag:s22] =	ssyncadd.s32 s3;
	_ =	sdelay $0x1  }
0xa1: {  	s23 =	simm.s32 $0x1B8B  }
0xa2: {  	_ =	swait.ge [sflag:s23], $0x1  }
0xa3: {  	[sflag:s23] =	ssyncset.done $0x0  }
0xa4: {  	s25 =	simm.s32 $0x1B8E;
	s24 =	sld [smem:$0x3FFE];
	[sflag:s23] =	ssyncadd.s32 $0xFFFFFFFF  }
0xa5: {  	s26 =	simm.s32 $execute0_lowered;
	[smem:$0x3FD2] =	sst s25  }
0xa6: {  	s4 =	sshll.u32 s26, $0x1;
	_ =	strace $0x80000046;
	[dreg:$0x1] =	wrdreg $0xFFFFFFFF  }
0xa7: {  	s28 =	simm.s32 $_size_execute0_lowered;
	s2 =	sadd.s32 s2, s4;
	[dreg:$0x0] =	wrdreg $0x0  }
0xa8: {  	s4 =	sshll.u32 s28, $0x1;
	[dreg:$0x2] =	wrdreg s2  }
0xa9: {  	[dreg:$0x3] =	wrdreg s4  }
0xaa: {  	[dreg:$0x4] =	wrdreg $0xC0  }
0xab: {  	_ =	task [dreg:s6], $0x5FFFF  }
0xac: {  	[dreg:$0x1] =	wrdreg $0xFFFFFFFF  }
0xad: {  	[dreg:$0x0] =	wrdreg $0x60  }
0xae: {  	[dreg:$0x2] =	wrdreg s24  }
0xaf: {  	[dreg:$0x3] =	wrdreg $0x11B900  }
0xb0: {  	[dreg:$0x4] =	wrdreg $0x9  }
0xb1: {  	_ =	task.clear_ibuf [dreg:s6], $0x5FFFF;
	_ =	strace $0x90000046  }
0xb2: {  	s29 =	simm.s32 $0x9;
	_ =	strace $0x80000048  }
0xb3: {  	_ =	swait.ge [sflag:s29], $0x1  }
0xb4: {  	[sflag:s29] =	ssyncadd.s32 $0xFFFFFFFF  }
0xb5: {  	_ =	strace $0x90000048  }
0xb6: {  	_ =	sfence  }
0xb7: {  	s30 =	sld [smem:$0x0];
	_ =	sdelay $0x2  }
0xb8: {  	s31 =	sshll.u32 s1, $0xD;
	s1 =	sshrl.u32 s1, $0x2  }
0xb9: {  	s3 =	sand.u32 $0x4000, s31;
	s1 =	sadd.s32 s1, s30  }
0xba: {  	s0 =	sor.u32 s3, s0;
	s1 =	sshll.u32 s1, $0x11  }
0xbb: {  	s0 =	sor.u32 s1, s0  }
0xbc: {  	s0 =	sadd.s32 $0x8F2B, s0  }
0xbd: {  	[sflag:s0] =	ssyncadd.remote.s32 $0x1  }
0xbe: {  	_ =	sfence.sel $0xFFFF  }
0xbf: {  	[dreg:$0x0] =	wrdreg $0xFFFFFFFF;
	(pc) =	sbr.abs _section_cstart, $3  }
0xc0: {  	[dreg:$0x1] =	wrdreg $0xFFFFFFFF  }
0xc1: {  	_ =	task.clear_ibuf [dreg:s6], $0x2FFFF;
	_ =	strace $0x9FFFFFFF  }
0xc2: {  	(tm) =	ssettm $0x7FFFFFFF  }
0xc3: {  	_ =	shalt  }
tec
execute0_lowered:
.L_overlay_start_1:
0x0: {  	(tag) =	ssettag $0x1  }
0x1: {  	s9 =	rddreg [dreg:$0x0]  }
0x2: {  	s1 =	rddreg [dreg:$0x1]  }
0x3: {  	s0 =	rddreg [dreg:$0x2];
	s3 =	simm.s32 $0x0  }
0x4: {  	s2 =	srdreg.scid;
	s14 =	simm.s32 $0x80;
	s15 =	simm.s32 $0x100  }
0x5: {  	s16 =	simm.s32 $0x190;
	s17 =	simm.s32 $0x1;
	s4 =	sand.u32 $0x1, s2  }
0x6: {  	s18 =	simm.s32 $0x2;
	s2 =	stileid.u32;
	s10 =	smul.u32 $0x13880, s4  }
0x7: {  	[smem:$0x7FF] =	sst s3;
	s5 =	sadd.s32 $0x16A00, s9;
	s11 =	smul.u32 $0x1F40, s2  }
0x8: {  	s6 =	sadd.s32 $0xCC00, s9;
	s7 =	sadd.s32 $0x2E00, s9;
	s12 =	smul.u32 $0x3E800, s2  }
.Ltmp0:
0x9: {  	s8 =	sadd.s32 $0x2A400, s9;
	s28 =	ssub.s32 $0x2, s4;
	(pc) =	sbr.rel .LBB2_1-.Ltmp0, $4  }
0xa: {  	_ =	strace $0x80000047;
	p0 =	sgt.u32 s2, $0x9;
	s29 =	sshrl.u32 s28, $0x1  }
0xb: {  	s10 =	sadd.s32 s11, s10;
	s30 =	sshrl.u32 s12, $0x2;
	s31 =	ssub.s32 s28, s29  }
0xc: {  	s13 =	sadd.s32 s10, s9;
	s9 =	sshll.u32 s2, $0x1;
	s10 =	sadd.s32 s30, s1  }
0xd: {  	v0 =	vimm.f32 $0.0e+00;
	s12 =	smax.u32 s31, $0x1;
	s11 =	sadd.s32 $0x34200, s13;
	s13 =	simm.s32 $0x3  }
.LBB2_9:
0xe: {  	[bflag:$0x0] =	sbarrier.arrive $0xFFFF;
	s19 =	simm.s32 @!p0 $0x2190;
	s20 =	simm.s32 @!p0 $0x2  }
0xf: {  	[tilespmem:s19], [sflag:$0x2] =	stream.linear.gather @!p0 [spmem:s10], $0xFA00, $0x38;
	[tilespmem:$0x1B7D0] =	vst v63  }
0x10: {  	s3 =	sadd.s32 $0x1, s3;
	_ =	swait.ge @!p0 [sflag:s20], $0xFA00  }
0x11: {  	p1 =	sne.s32 s3, s12;
	[sflag:s20] =	ssyncset.done @!p0 $0x0  }
.Ltmp1:
0x12: {  	s21 =	simm.s32 @!p0 $0x0;
	[sflag:s20] =	ssyncadd.s32 @!p0 $0xFFFF0600;
	(pc) =	sbr.rel @!p1 .LBB2_10-.Ltmp1, $4  }
0x13: {  	[hbm4b:s11+s21] =	stream.linear.scatter @!p0 [tilespmem:s19], [sflag:$0x2], $0xFA00, $0x38;
	[tilespmem:$0x1B7D0] =	vst v63  }
0x14: {  	_ =	swait.ge @!p0 [sflag:s20], $0xFA00  }
0x15: {  	[sflag:s20] =	ssyncset.done @!p0 $0x0  }
0x16: {  	[sflag:s20] =	ssyncadd.s32 @!p0 $0xFFFF0600  }
.LBB2_1:
0x17: {  	s20 =	simm.s32 $0x100;
	s19 =	simm.s32 $0x0  }
.LBB2_2:
0x18: {  	p1 =	sne.s32 s20, $0x3E700;
	[tilespmem:s19+$0x21C0] =	vst v0;
	s21 =	smov.u32 s20;
	s20 =	sadd.s32 $0x100, s20  }
.Ltmp2:
0x19: {  	[tilespmem:s19+$0x21B0] =	vst v0;
	(pc) =	sbr.rel @p1 .LBB2_2-.Ltmp2, $3  }
0x1a: {  	[tilespmem:s19+$0x2190] =	vst v0  }
0x1b: {  	[tilespmem:s19+$0x21A0] =	vst v0;
	_ =	sdelay $0x1  }
0x1c: {  	s19 =	sshra.s32 s21, $0x2  }
0x1d: {  	[tilespmem:s19+$0x21C0] =	vst v0  }
0x1e: {  	[tilespmem:s19+$0x21B0] =	vst v0  }
0x1f: {  	[tilespmem:s19+$0x2190] =	vst v0  }
0x20: {  	[tilespmem:s19+$0x21A0] =	vst v0;
	s19 =	simm.s32 @!p0 $0x2190  }
0x21: {  	[spmem:s10] =	stream.linear.scatter @!p0 [tilespmem:s19], [sflag:$0x2], $0xFA00, $0x38;
	[tilespmem:$0x1B7D0] =	vst v63  }
0x22: {  	s19 =	simm.s32 @!p0 $0x2  }
.Ltmp3:
0x23: {  	_ =	swait.ge @!p0 [sflag:s19], $0xFA00;
	(pc) =	sbr.rel .LBB2_4-.Ltmp3, $4  }
0x24: {  	[sflag:s19] =	ssyncset.done @!p0 $0x0  }
0x25: {  	[sflag:s19] =	ssyncadd.s32 @!p0 $0xFFFF0600  }
0x26: {  	[bflag:$0x0] =	sbarrier.arrive $0xFFFF  }
0x27: {  	s19 =	simm.s32 $0x0  }
.LBB2_8:
0x28: {  	s19 =	sadd.s32 $0x1, s19  }
0x29: {  	p1 =	sne.s32 s19, $0x4F  }
.Ltmp4:
0x2a: {  	_ = 	snop;
	(pc) =	sbr.rel @!p1 .LBB2_9-.Ltmp4, $1  }
0x2b: {  	_ =	sdelay $0x3  }
.LBB2_4:
0x2c: {  	s20 =	sshll.u32 s19, $0x5  }
0x2d: {  	s20 =	sor.u32 s9, s20  }
0x2e: {  	p1 =	sgt.u32 s20, $0x9C3  }
.Ltmp5:
0x2f: {  	_ = 	snop;
	(pc) =	sbr.rel @p1 .LBB2_8-.Ltmp5, $1  }
0x30: {  	_ =	sdelay $0x3  }
0x31: {  	s20 =	sor.u32 s4, s20  }
0x32: {  	s20 =	sshll.u32 s20, $0x4  }
0x33: {  	s22 =	simm.s32 $0x0;
	s21 =	sadd.s32 s6, s20  }
0x34: {  	[tilespmem:s22], [sflag:$0x3] =	stream.linear.gather [hbm4b:s21+s22], $0x80, $0x38;
	[tilespmem:$0x1B7D0] =	vst v63  }
0x35: {  	_ =	swait.ge [sflag:s13], $0x80  }
0x36: {  	[sflag:s13] =	ssyncset.done $0x0  }
0x37: {  	s30 =	sadd.s32 s7, s20;
	[sflag:s13] =	ssyncadd.s32 $0xFFFFFF80  }
0x38: {  	[tilespmem:s14], [sflag:$0x3] =	stream.linear.gather [hbm4b:s30+s22], $0x80, $0x38;
	[tilespmem:$0x1B7D0] =	vst v63  }
0x39: {  	_ =	swait.ge [sflag:s13], $0x80  }
0x3a: {  	[sflag:s13] =	ssyncset.done $0x0  }
0x3b: {  	s20 =	sadd.s32 s8, s20;
	[sflag:s13] =	ssyncadd.s32 $0xFFFFFF80  }
0x3c: {  	[tilespmem:s15], [sflag:$0x3] =	stream.linear.gather [hbm4b:s20+s22], $0x80, $0x38;
	[tilespmem:$0x1B7D0] =	vst v63  }
0x3d: {  	_ =	swait.ge [sflag:s13], $0x80  }
0x3e: {  	[sflag:s13] =	ssyncset.done $0x0  }
0x3f: {  	[sflag:s13] =	ssyncadd.s32 $0xFFFFFF80  }
0x40: {  	[tilespmem:s16], [sflag:$0x1] =	stream.indirect.gather [hbm4b:s5+s14], $0x40, s22, s14, $0xb8;
	[tilespmem:$0x1B7D0] =	vst v63  }
0x41: {  	_ =	swait.ge [sflag:s17], $0x2000  }
0x42: {  	[sflag:s17] =	ssyncset.done $0x0  }
0x43: {  	s20 =	simm.s32 $0x1B0;
	[sflag:s17] =	ssyncadd.s32 $0xFFFFE000  }
0x44: {  	v1 =	vld [tilespmem:s20+$0xFFFFFFF0]  }
0x45: {  	s31 =	simm.s32 $0x0;
	v3 =	vld [tilespmem:s20+$0x10]  }
0x46: {  	v5 =	vld.msk [tilespmem:s31+$0x100 ss:$0x0], $0xffff  }
0x47: {  	v2 =	vld [tilespmem:s20+$0xFFFFFFE0]  }
0x48: {  	v6 =	vld [tilespmem:s20+$0x0];
	_ =	sdelay $0x3  }
0x49: {  	v2 =	vmul.f32 v5, v2;
	v4 =	vmul.f32 v3, v5  }
0x4a: {  	s21 =	simm.s32 $0x4;
	s22 =	simm.s32 $0x1B0;
	v3 =	vmul.f32 v1, v5;
	v1 =	vmul.f32 v6, v5  }
.LBB2_6:
0x4b: {  	p1 =	sne.s32 s21, $0x1FC  }
0x4c: {  	[tilespmem:s20+$0x10] =	vst v4;
	s22 =	sadd.s32 $0x40, s22;
	s23 =	smov.u32 s21;
	s21 =	sadd.s32 $0x4, s21  }
0x4d: {  	[tilespmem:s20+$0xFFFFFFE0] =	vst v2  }
0x4e: {  	v5 =	vld [tilespmem:s22+$0xFFFFFFF0];
	[tilespmem:s20+$0xFFFFFFF0] =	vst v3  }
0x4f: {  	s23 =	sshra.s32 s23, $0x2;
	v3 =	vld [tilespmem:s22+$0x10];
	[tilespmem:s20+$0x0] =	vst v1;
	s20 =	smov.u32 s22  }
0x50: {  	v1 =	vld.msk [tilespmem:s23+$0x100 ss:$0x0], $0xffff  }
0x51: {  	v2 =	vld [tilespmem:s22+$0xFFFFFFE0]  }
0x52: {  	v6 =	vld [tilespmem:s22+$0x0]  }
.Ltmp6:
0x53: {  	(pc) =	sbr.rel @p1 .LBB2_6-.Ltmp6, $3  }
0x54: {  	_ =	sdelay $0x1  }
0x55: {  	v4 =	vmul.f32 v3, v1;
	v2 =	vmul.f32 v1, v2  }
0x56: {  	v3 =	vmul.f32 v5, v1;
	v1 =	vmul.f32 v6, v1  }
0x57: {  	[tilespmem:s20+$0x10] =	vst v4  }
0x58: {  	[tilespmem:s20+$0xFFFFFFE0] =	vst v2  }
0x59: {  	[tilespmem:s20+$0xFFFFFFF0] =	vst v3  }
.Ltmp7:
0x5a: {  	[tilespmem:s20+$0x0] =	vst v1;
	(pc) =	sbr.rel .LBB2_8-.Ltmp7, $4  }
0x5b: {  	[spmem:s1] =	stream.indirect.scatter.add.f32 [tilespmem:s16], [sflag:$0x2], $0x40, s14, s14, $0xb8;
	[tilespmem:$0x1B7D0] =	vst v63  }
0x5c: {  	_ =	swait.ge [sflag:s18], $0x2000  }
0x5d: {  	[sflag:s18] =	ssyncset.done $0x0  }
0x5e: {  	[sflag:s18] =	ssyncadd.s32 $0xFFFFE000  }
.LBB2_10:
0x5f: {  	_ =	sfence.sel $0x180000  }
0x60: {  	[bflag:$0x0] =	sbarrier.arrive $0xFFFF  }
0x61: {  	p0 =	sne.s32 s2, $0x0;
	_ =	strace $0x90000047  }
0x62: {  	s0 =	sadd.s32 @!p0 $0x100000, s0;
	[bflag:$0x2] =	sbarrier.arrive $0xFFFF  }
0x63: {  	[sflag:s0] =	ssyncadd.tile.s32 @!p0 $0x1;
	_ =	shalt  }
.Lfunc_end2:
_tile_overlayer_lowered:
.L_overlay_start_2:
0x64: {  	(tag) =	ssettag $0x2  }
0x65: {  	s0 =	rddreg [dreg:$0x0];
	s2 =	stileid.u32  }
0x66: {  	s1 =	rddreg [dreg:$0x1];
	p0 =	sne.s32 s2, $0x0  }
0x67: {  	s3 =	rddreg [dreg:$0x2];
	[bflag:$0x3] =	sbarrier.arrive $0xFFFF;
	s2 =	simm.s32 @!p0 $0x1C02  }
0x68: {  	[timem:s3], [sflag:s2] =	dma.local @!p0 [hbm:s0], s1  }
0x69: {  	s0 =	simm.s32 @!p0 $0x2  }
0x6a: {  	_ =	swait.ge @!p0 [sflag:s0], s1  }
0x6b: {  	s1 =	ssub.s32 @!p0 $0x0, s1;
	[sflag:s0] =	ssyncset.done @!p0 $0x0  }
0x6c: {  	[sflag:s0] =	ssyncadd.s32 @!p0 s1  }
0x6d: {  	[bflag:$0x3] =	sbarrier.arrive $0xFFFF  }
0x6e: {  	_ =	shalt  }

// kernel: kernel.13.cloned.1.call-start
scs
__scs_entry_jumppad:
0x0: {  	(pc) =	sbr.rel $0x88, $3  }
0x1: {  	(tag) =	ssettag $0x0;
	lr =	simm.s32 $0x1  }
0x2: {  	[smem:$0x3F86] =	sst lr;
	_ =	strace $0xD0000000  }
0x3: {  	_ = 	snop  }
0x4: {  	_ = 	snop  }
0x5: {  	_ = 	snop  }
0x6: {  	_ = 	snop  }
0x7: {  	_ = 	snop  }
__scs_overlays_trampoline_lowered:
0x8: {  	[smem:$0x3F95] =	sst s0  }
0x9: {  	[smem:$0x3F96] =	sst s1  }
0xa: {  	[smem:$0x3F97] =	sst s2  }
0xb: {  	[smem:$0x3F98] =	sst s3  }
0xc: {  	[smem:$0x3F99] =	sst s4  }
0xd: {  	[smem:$0x3F9A] =	sst s5  }
0xe: {  	[smem:$0x3F9B] =	sst s6  }
0xf: {  	[smem:$0x3F9C] =	sst s7  }
0x10: {  	[smem:$0x3F9D] =	sst s8  }
0x11: {  	[smem:$0x3F9E] =	sst s9;
	s0 =	simm.s32 @!p0 $0x0  }
0x12: {  	s1 =	sld [smem:$0x3F84];
	s0 =	simm.s32 @p0 $0x1  }
0x13: {  	[smem:$0x3F9F] =	sst s0;
	s0 =	simm.s32 @!p1 $0x0  }
0x14: {  	s2 =	sld [smem:$0x3F83];
	s0 =	simm.s32 @p1 $0x1  }
0x15: {  	[smem:$0x3FA0] =	sst s0;
	s0 =	simm.s32 @!p2 $0x0  }
0x16: {  	s3 =	sld [smem:$0x3FDB];
	s0 =	simm.s32 @p2 $0x1  }
0x17: {  	s4 =	simm.s32 $0x1BF5;
	[smem:$0x3FA2] =	sst s0  }
0x18: {  	s0 =	sld [smem:$0x3F85];
	_ =	swait.ge [sflag:s4], $0x0  }
0x19: {  	s7 =	sld [smem:$0x3F86]  }
0x1a: {  	s8 =	sadd.s32 $0xFFFFE003, lr  }
0x1b: {  	s9 =	sadd.s32 $0xFFFFFEF7, lr;
	s5 =	simm.s32 $0xFFFFFFFF;
	p2 =	slt.u32 s8, $0xFFFFF086  }
0x1c: {  	p1 =	slt.u32 s9, $0xF7A;
	s5 =	simm.s32 @!p2 $0x0  }
0x1d: {  	s5 =	simm.s32 @p1 $0x1;
	p0 =	seq.s32 s7, s2  }
0x1e: {  	s7 =	smul.u32 @!p0 $0xF7A, s2;
	p2 =	seq.s32 @!p0 s5, $0x0  }
0x1f: {  	s9 =	smul.u32 $0xF7A, s1;
	s8 =	simm.s32 @!p0 $0x1BF5;
	p2 =	por !p2, p0  }
0x20: {  	[sflag:s8] =	ssyncset.s32 @!p0 $0xFFFFF086;
	s6 =	sadd.s32 @!p0 s3, s7;
	s7 =	simm.s32 @!p0 $0x108  }
0x21: {  	s3 =	sadd.s32 s3, s9;
	s6 =	sadd.s32 @!p0 $0x88, s6;
	s7 =	simm.s32 @p2 $0x1082  }
0x22: {  	[simem:s7], [sflag:s8] =	dma.local @!p0 [hbm:s6], $0xF7A  }
0x23: {  	s9 =	sor.u32 $0xD0000000, s2;
	s6 =	simm.s32 $0x108;
	_ =	swait.ge @!p0 [sflag:s8], $0x0  }
0x24: {  	s3 =	sadd.s32 $0x88, s3;
	s6 =	simm.s32 @!p1 $0x1082;
	[sflag:s4] =	ssyncset.s32 $0xFFFFF086  }
0x25: {  	[simem:s6], [sflag:s4] =	dma.local [hbm:s3], $0xF7A  }
0x26: {  	[smem:$0x3F86] =	sst s1;
	(tag) =	ssettag s2;
	_ =	strace s9  }
0x27: {  	s1 =	sld [smem:$0x3F96]  }
0x28: {  	s2 =	sld [smem:$0x3F97]  }
0x29: {  	s4 =	sld [smem:$0x3F99]  }
0x2a: {  	p0 =	seq.s32 s5, $0x0;
	s5 =	sld [smem:$0x3F9A]  }
0x2b: {  	s6 =	sld [smem:$0x3F9B]  }
0x2c: {  	s7 =	sld [smem:$0x3F9C]  }
0x2d: {  	s3 =	simm.s32 $0x108;
	s8 =	sld [smem:$0x3F9D]  }
0x2e: {  	s3 =	simm.s32 @!p0 $0x1082;
	s9 =	sld [smem:$0x3F9E]  }
0x2f: {  	lr =	sadd.s32 s0, s3;
	s0 =	sld [smem:$0x3F95]  }
0x30: {  	s3 =	sld [smem:$0x3F98]  }
0x31: {  	[smem:$0x3FA1] =	sst s10  }
0x32: {  	s10 =	sld [smem:$0x3F9F];
	_ =	sdelay $0x3  }
0x33: {  	p0 =	seq.s32 s10, $0x1;
	s10 =	sld [smem:$0x3FA1];
	_ =	sdelay $0x3  }
0x34: {  	[smem:$0x3FA1] =	sst s10  }
0x35: {  	s10 =	sld [smem:$0x3FA0];
	_ =	sdelay $0x3  }
0x36: {  	p1 =	seq.s32 s10, $0x1;
	s10 =	sld [smem:$0x3FA1];
	_ =	sdelay $0x3  }
0x37: {  	[smem:$0x3FA1] =	sst s10  }
0x38: {  	s10 =	sld [smem:$0x3FA2]  }
0x39: {  	_ = 	snop;
	(pc) =	sbr.ind lr, $3  }
0x3a: {  	_ = 	snop  }
0x3b: {  	_ = 	snop  }
0x3c: {  	p2 =	seq.s32 s10, $0x1;
	s10 =	sld [smem:$0x3FA1]  }
0x3d: {  	_ =	shalt  }
0x3e: {  	_ =	shalt  }
0x3f: {  	_ =	shalt  }
0x40: {  	_ =	shalt  }
0x41: {  	_ =	shalt  }
0x42: {  	_ =	shalt  }
0x43: {  	_ =	shalt  }
0x44: {  	_ =	shalt  }
0x45: {  	_ =	shalt  }
0x46: {  	_ =	shalt  }
0x47: {  	_ =	shalt  }
0x48: {  	_ =	shalt  }
0x49: {  	_ =	shalt  }
0x4a: {  	_ =	shalt  }
0x4b: {  	_ =	shalt  }
0x4c: {  	_ =	shalt  }
0x4d: {  	_ =	shalt  }
0x4e: {  	_ =	shalt  }
0x4f: {  	_ =	shalt  }
0x50: {  	_ =	shalt  }
0x51: {  	_ =	shalt  }
0x52: {  	_ =	shalt  }
0x53: {  	_ =	shalt  }
0x54: {  	_ =	shalt  }
0x55: {  	_ =	shalt  }
0x56: {  	_ =	shalt  }
0x57: {  	_ =	shalt  }
0x58: {  	_ =	shalt  }
0x59: {  	_ =	shalt  }
0x5a: {  	_ =	shalt  }
0x5b: {  	_ =	shalt  }
0x5c: {  	_ =	shalt  }
0x5d: {  	_ =	shalt  }
0x5e: {  	_ =	shalt  }
0x5f: {  	_ =	shalt  }
0x60: {  	_ =	shalt  }
0x61: {  	_ =	shalt  }
0x62: {  	_ =	shalt  }
0x63: {  	_ =	shalt  }
0x64: {  	_ =	shalt  }
0x65: {  	_ =	shalt  }
0x66: {  	_ =	shalt  }
0x67: {  	_ =	shalt  }
0x68: {  	_ =	shalt  }
0x69: {  	_ =	shalt  }
0x6a: {  	_ =	shalt  }
0x6b: {  	_ =	shalt  }
0x6c: {  	_ =	shalt  }
0x6d: {  	_ =	shalt  }
0x6e: {  	_ =	shalt  }
0x6f: {  	_ =	shalt  }
0x70: {  	_ =	shalt  }
0x71: {  	_ =	shalt  }
0x72: {  	_ =	shalt  }
0x73: {  	_ =	shalt  }
0x74: {  	_ =	shalt  }
0x75: {  	_ =	shalt  }
0x76: {  	_ =	shalt  }
0x77: {  	_ =	shalt  }
0x78: {  	_ =	shalt  }
0x79: {  	_ =	shalt  }
0x7a: {  	_ =	shalt  }
0x7b: {  	_ =	shalt  }
0x7c: {  	_ =	shalt  }
0x7d: {  	_ =	shalt  }
0x7e: {  	_ =	shalt  }
0x7f: {  	_ =	shalt  }
0x80: {  	_ =	shalt  }
0x81: {  	_ =	shalt  }
0x82: {  	_ =	shalt  }
0x83: {  	_ =	shalt  }
0x84: {  	_ =	shalt  }
0x85: {  	_ =	shalt  }
0x86: {  	_ =	shalt  }
0x87: {  	_ =	shalt  }
.Lfunc_end0:
.L_simem_size_0:
called_computation.1_lowered:
.L_overlay_start_0:
0x88: {  	s2 =	sld [smem:$0x3FD9]  }
0x89: {  	s3 =	sld [smem:$0x3FFE];
	_ =	sdelay $0x1  }
0x8a: {  	s1 =	srdreg.scid  }
0x8b: {  	s0 =	sand.u32 $0x1, s1  }
0x8c: {  	s16 =	sshll.u32 s0, $0xA;
	s2 =	sadd.s32 s3, s2  }
0x8d: {  	s2 =	sadd.s32 s2, s16  }
0x8e: {  	[smem:$0x3FAD] =	sst s2  }
0x8f: {  	_ = 	snop  }
0x90: {  	(tm) =	ssettm $0x1  }
0x91: {  	s17 =	sld [smem:$0x3FFB];
	_ =	sdelay $0x3  }
0x92: {  	_ =	strace s17  }
0x93: {  	s2 =	sld [smem:$0x3FFC];
	_ =	sdelay $0x3  }
0x94: {  	_ =	strace s2  }
0x95: {  	s2 =	sld [smem:$0x3FFD];
	_ =	sdelay $0x3  }
0x96: {  	_ =	strace s2  }
0x97: {  	_ =	strace $0x8FFFFFFF  }
0x98: {  	s18 =	sld [smem:$0x3FDB];
	_ =	sdelay $0x1  }
0x99: {  	s19 =	simm.s32 $_scs_section_size  }
0x9a: {  	s4 =	simm.s32 $_size__tile_overlayer_lowered;
	s5 =	simm.s32 $_tile_overlayer_lowered  }
0x9b: {  	s22 =	simm.s32 $0x1BFF;
	s21 =	sshll.u32 s5, $0x1;
	s2 =	sadd.s32 s19, s18  }
0x9c: {  	s6 =	simm.s32 $0x0;
	s20 =	sshll.u32 s4, $0x1;
	s4 =	sadd.s32 s21, s2  }
0x9d: {  	[timem:s6], [sflag:s22] =	dma.local [hbm:s4], s20  }
0x9e: {  	_ =	swait.ge [sflag:s22], s20  }
0x9f: {  	s3 =	ssub.s32 $0x0, s20;
	[sflag:s22] =	ssyncset.done $0x0  }
0xa0: {  	[sflag:s22] =	ssyncadd.s32 s3;
	_ =	sdelay $0x1  }
0xa1: {  	s23 =	simm.s32 $0x1B8B  }
0xa2: {  	_ =	swait.ge [sflag:s23], $0x1  }
0xa3: {  	[sflag:s23] =	ssyncset.done $0x0  }
0xa4: {  	s25 =	simm.s32 $0x1B8E;
	s24 =	sld [smem:$0x3FFE];
	[sflag:s23] =	ssyncadd.s32 $0xFFFFFFFF  }
0xa5: {  	s26 =	simm.s32 $execute0_lowered;
	[smem:$0x3FD2] =	sst s25  }
0xa6: {  	s4 =	sshll.u32 s26, $0x1;
	_ =	strace $0x80000049;
	[dreg:$0x1] =	wrdreg $0xFFFFFFFF  }
0xa7: {  	s28 =	simm.s32 $_size_execute0_lowered;
	s2 =	sadd.s32 s2, s4;
	[dreg:$0x0] =	wrdreg $0x0  }
0xa8: {  	s4 =	sshll.u32 s28, $0x1;
	[dreg:$0x2] =	wrdreg s2  }
0xa9: {  	[dreg:$0x3] =	wrdreg s4  }
0xaa: {  	[dreg:$0x4] =	wrdreg $0xC0  }
0xab: {  	_ =	task [dreg:s6], $0x5FFFF  }
0xac: {  	[dreg:$0x1] =	wrdreg $0xFFFFFFFF  }
0xad: {  	[dreg:$0x0] =	wrdreg $0x60  }
0xae: {  	[dreg:$0x2] =	wrdreg s24  }
0xaf: {  	[dreg:$0x3] =	wrdreg $0x11B900  }
0xb0: {  	[dreg:$0x4] =	wrdreg $0x9  }
0xb1: {  	_ =	task.clear_ibuf [dreg:s6], $0x5FFFF;
	_ =	strace $0x90000049  }
0xb2: {  	s29 =	simm.s32 $0x9;
	_ =	strace $0x8000004B  }
0xb3: {  	_ =	swait.ge [sflag:s29], $0x1  }
0xb4: {  	[sflag:s29] =	ssyncadd.s32 $0xFFFFFFFF  }
0xb5: {  	_ =	strace $0x9000004B  }
0xb6: {  	_ =	sfence  }
0xb7: {  	s30 =	sld [smem:$0x0];
	_ =	sdelay $0x2  }
0xb8: {  	s31 =	sshll.u32 s1, $0xD;
	s1 =	sshrl.u32 s1, $0x2  }
0xb9: {  	s3 =	sand.u32 $0x4000, s31;
	s1 =	sadd.s32 s1, s30  }
0xba: {  	s0 =	sor.u32 s3, s0;
	s1 =	sshll.u32 s1, $0x11  }
0xbb: {  	s0 =	sor.u32 s1, s0  }
0xbc: {  	s0 =	sadd.s32 $0x8F2B, s0  }
0xbd: {  	[sflag:s0] =	ssyncadd.remote.s32 $0x1  }
0xbe: {  	_ =	sfence.sel $0xFFFF  }
0xbf: {  	[dreg:$0x0] =	wrdreg $0xFFFFFFFF;
	(pc) =	sbr.abs _section_cstart, $3  }
0xc0: {  	[dreg:$0x1] =	wrdreg $0xFFFFFFFF  }
0xc1: {  	_ =	task.clear_ibuf [dreg:s6], $0x2FFFF;
	_ =	strace $0x9FFFFFFF  }
0xc2: {  	(tm) =	ssettm $0x7FFFFFFF  }
0xc3: {  	_ =	shalt  }
tec
execute0_lowered:
.L_overlay_start_1:
0x0: {  	(tag) =	ssettag $0x1  }
0x1: {  	s9 =	rddreg [dreg:$0x0]  }
0x2: {  	s1 =	rddreg [dreg:$0x1]  }
0x3: {  	s0 =	rddreg [dreg:$0x2];
	s3 =	simm.s32 $0x0  }
0x4: {  	s2 =	srdreg.scid;
	s14 =	simm.s32 $0x80;
	s15 =	simm.s32 $0x100  }
0x5: {  	s16 =	simm.s32 $0x190;
	s17 =	simm.s32 $0x1;
	s4 =	sand.u32 $0x1, s2  }
0x6: {  	s18 =	simm.s32 $0x2;
	s2 =	stileid.u32;
	s10 =	smul.u32 $0x13880, s4  }
0x7: {  	[smem:$0x7FF] =	sst s3;
	s5 =	sadd.s32 $0x16A00, s9;
	s11 =	smul.u32 $0x1F40, s2  }
0x8: {  	s6 =	sadd.s32 $0xCC00, s9;
	s7 =	sadd.s32 $0x2E00, s9;
	s12 =	smul.u32 $0x3E800, s2  }
.Ltmp0:
0x9: {  	s8 =	sadd.s32 $0x2A400, s9;
	s28 =	ssub.s32 $0x2, s4;
	(pc) =	sbr.rel .LBB2_1-.Ltmp0, $4  }
0xa: {  	_ =	strace $0x8000004A;
	p0 =	sgt.u32 s2, $0x9;
	s29 =	sshrl.u32 s28, $0x1  }
0xb: {  	s10 =	sadd.s32 s11, s10;
	s30 =	sshrl.u32 s12, $0x2;
	s31 =	ssub.s32 s28, s29  }
0xc: {  	s13 =	sadd.s32 s10, s9;
	s9 =	sshll.u32 s2, $0x1;
	s10 =	sadd.s32 s30, s1  }
0xd: {  	v0 =	vimm.f32 $0.0e+00;
	s12 =	smax.u32 s31, $0x1;
	s11 =	sadd.s32 $0x34200, s13;
	s13 =	simm.s32 $0x3  }
.LBB2_9:
0xe: {  	[bflag:$0x0] =	sbarrier.arrive $0xFFFF;
	s19 =	simm.s32 @!p0 $0x2190;
	s20 =	simm.s32 @!p0 $0x2  }
0xf: {  	[tilespmem:s19], [sflag:$0x2] =	stream.linear.gather @!p0 [spmem:s10], $0xFA00, $0x38;
	[tilespmem:$0x1B7D0] =	vst v63  }
0x10: {  	s3 =	sadd.s32 $0x1, s3;
	_ =	swait.ge @!p0 [sflag:s20], $0xFA00  }
0x11: {  	p1 =	sne.s32 s3, s12;
	[sflag:s20] =	ssyncset.done @!p0 $0x0  }
.Ltmp1:
0x12: {  	s21 =	simm.s32 @!p0 $0x0;
	[sflag:s20] =	ssyncadd.s32 @!p0 $0xFFFF0600;
	(pc) =	sbr.rel @!p1 .LBB2_10-.Ltmp1, $4  }
0x13: {  	[hbm4b:s11+s21] =	stream.linear.scatter @!p0 [tilespmem:s19], [sflag:$0x2], $0xFA00, $0x38;
	[tilespmem:$0x1B7D0] =	vst v63  }
0x14: {  	_ =	swait.ge @!p0 [sflag:s20], $0xFA00  }
0x15: {  	[sflag:s20] =	ssyncset.done @!p0 $0x0  }
0x16: {  	[sflag:s20] =	ssyncadd.s32 @!p0 $0xFFFF0600  }
.LBB2_1:
0x17: {  	s20 =	simm.s32 $0x100;
	s19 =	simm.s32 $0x0  }
.LBB2_2:
0x18: {  	p1 =	sne.s32 s20, $0x3E700;
	[tilespmem:s19+$0x21C0] =	vst v0;
	s21 =	smov.u32 s20;
	s20 =	sadd.s32 $0x100, s20  }
.Ltmp2:
0x19: {  	[tilespmem:s19+$0x21B0] =	vst v0;
	(pc) =	sbr.rel @p1 .LBB2_2-.Ltmp2, $3  }
0x1a: {  	[tilespmem:s19+$0x2190] =	vst v0  }
0x1b: {  	[tilespmem:s19+$0x21A0] =	vst v0;
	_ =	sdelay $0x1  }
0x1c: {  	s19 =	sshra.s32 s21, $0x2  }
0x1d: {  	[tilespmem:s19+$0x21C0] =	vst v0  }
0x1e: {  	[tilespmem:s19+$0x21B0] =	vst v0  }
0x1f: {  	[tilespmem:s19+$0x2190] =	vst v0  }
0x20: {  	[tilespmem:s19+$0x21A0] =	vst v0;
	s19 =	simm.s32 @!p0 $0x2190  }
0x21: {  	[spmem:s10] =	stream.linear.scatter @!p0 [tilespmem:s19], [sflag:$0x2], $0xFA00, $0x38;
	[tilespmem:$0x1B7D0] =	vst v63  }
0x22: {  	s19 =	simm.s32 @!p0 $0x2  }
.Ltmp3:
0x23: {  	_ =	swait.ge @!p0 [sflag:s19], $0xFA00;
	(pc) =	sbr.rel .LBB2_4-.Ltmp3, $4  }
0x24: {  	[sflag:s19] =	ssyncset.done @!p0 $0x0  }
0x25: {  	[sflag:s19] =	ssyncadd.s32 @!p0 $0xFFFF0600  }
0x26: {  	[bflag:$0x0] =	sbarrier.arrive $0xFFFF  }
0x27: {  	s19 =	simm.s32 $0x0  }
.LBB2_8:
0x28: {  	s19 =	sadd.s32 $0x1, s19  }
0x29: {  	p1 =	sne.s32 s19, $0x4F  }
.Ltmp4:
0x2a: {  	_ = 	snop;
	(pc) =	sbr.rel @!p1 .LBB2_9-.Ltmp4, $1  }
0x2b: {  	_ =	sdelay $0x3  }
.LBB2_4:
0x2c: {  	s20 =	sshll.u32 s19, $0x5  }
0x2d: {  	s20 =	sor.u32 s9, s20  }
0x2e: {  	p1 =	sgt.u32 s20, $0x9C3  }
.Ltmp5:
0x2f: {  	_ = 	snop;
	(pc) =	sbr.rel @p1 .LBB2_8-.Ltmp5, $1  }
0x30: {  	_ =	sdelay $0x3  }
0x31: {  	s20 =	sor.u32 s4, s20  }
0x32: {  	s20 =	sshll.u32 s20, $0x4  }
0x33: {  	s22 =	simm.s32 $0x0;
	s21 =	sadd.s32 s6, s20  }
0x34: {  	[tilespmem:s22], [sflag:$0x3] =	stream.linear.gather [hbm4b:s21+s22], $0x80, $0x38;
	[tilespmem:$0x1B7D0] =	vst v63  }
0x35: {  	_ =	swait.ge [sflag:s13], $0x80  }
0x36: {  	[sflag:s13] =	ssyncset.done $0x0  }
0x37: {  	s30 =	sadd.s32 s7, s20;
	[sflag:s13] =	ssyncadd.s32 $0xFFFFFF80  }
0x38: {  	[tilespmem:s14], [sflag:$0x3] =	stream.linear.gather [hbm4b:s30+s22], $0x80, $0x38;
	[tilespmem:$0x1B7D0] =	vst v63  }
0x39: {  	_ =	swait.ge [sflag:s13], $0x80  }
0x3a: {  	[sflag:s13] =	ssyncset.done $0x0  }
0x3b: {  	s20 =	sadd.s32 s8, s20;
	[sflag:s13] =	ssyncadd.s32 $0xFFFFFF80  }
0x3c: {  	[tilespmem:s15], [sflag:$0x3] =	stream.linear.gather [hbm4b:s20+s22], $0x80, $0x38;
	[tilespmem:$0x1B7D0] =	vst v63  }
0x3d: {  	_ =	swait.ge [sflag:s13], $0x80  }
0x3e: {  	[sflag:s13] =	ssyncset.done $0x0  }
0x3f: {  	[sflag:s13] =	ssyncadd.s32 $0xFFFFFF80  }
0x40: {  	[tilespmem:s16], [sflag:$0x1] =	stream.indirect.gather [hbm4b:s5+s14], $0x40, s22, s14, $0xb8;
	[tilespmem:$0x1B7D0] =	vst v63  }
0x41: {  	_ =	swait.ge [sflag:s17], $0x2000  }
0x42: {  	[sflag:s17] =	ssyncset.done $0x0  }
0x43: {  	s20 =	simm.s32 $0x1B0;
	[sflag:s17] =	ssyncadd.s32 $0xFFFFE000  }
0x44: {  	v1 =	vld [tilespmem:s20+$0xFFFFFFF0]  }
0x45: {  	s31 =	simm.s32 $0x0;
	v3 =	vld [tilespmem:s20+$0x10]  }
0x46: {  	v5 =	vld.msk [tilespmem:s31+$0x100 ss:$0x0], $0xffff  }
0x47: {  	v2 =	vld [tilespmem:s20+$0xFFFFFFE0]  }
0x48: {  	v6 =	vld [tilespmem:s20+$0x0];
	_ =	sdelay $0x3  }
0x49: {  	v2 =	vmul.f32 v5, v2;
	v4 =	vmul.f32 v3, v5  }
0x4a: {  	s21 =	simm.s32 $0x4;
	s22 =	simm.s32 $0x1B0;
	v3 =	vmul.f32 v1, v5;
	v1 =	vmul.f32 v6, v5  }
.LBB2_6:
0x4b: {  	p1 =	sne.s32 s21, $0x1FC  }
0x4c: {  	[tilespmem:s20+$0x10] =	vst v4;
	s22 =	sadd.s32 $0x40, s22;
	s23 =	smov.u32 s21;
	s21 =	sadd.s32 $0x4, s21  }
0x4d: {  	[tilespmem:s20+$0xFFFFFFE0] =	vst v2  }
0x4e: {  	v5 =	vld [tilespmem:s22+$0xFFFFFFF0];
	[tilespmem:s20+$0xFFFFFFF0] =	vst v3  }
0x4f: {  	s23 =	sshra.s32 s23, $0x2;
	v3 =	vld [tilespmem:s22+$0x10];
	[tilespmem:s20+$0x0] =	vst v1;
	s20 =	smov.u32 s22  }
0x50: {  	v1 =	vld.msk [tilespmem:s23+$0x100 ss:$0x0], $0xffff  }
0x51: {  	v2 =	vld [tilespmem:s22+$0xFFFFFFE0]  }
0x52: {  	v6 =	vld [tilespmem:s22+$0x0]  }
.Ltmp6:
0x53: {  	(pc) =	sbr.rel @p1 .LBB2_6-.Ltmp6, $3  }
0x54: {  	_ =	sdelay $0x1  }
0x55: {  	v4 =	vmul.f32 v3, v1;
	v2 =	vmul.f32 v1, v2  }
0x56: {  	v3 =	vmul.f32 v5, v1;
	v1 =	vmul.f32 v6, v1  }
0x57: {  	[tilespmem:s20+$0x10] =	vst v4  }
0x58: {  	[tilespmem:s20+$0xFFFFFFE0] =	vst v2  }
0x59: {  	[tilespmem:s20+$0xFFFFFFF0] =	vst v3  }
.Ltmp7:
0x5a: {  	[tilespmem:s20+$0x0] =	vst v1;
	(pc) =	sbr.rel .LBB2_8-.Ltmp7, $4  }
0x5b: {  	[spmem:s1] =	stream.indirect.scatter.add.f32 [tilespmem:s16], [sflag:$0x2], $0x40, s14, s14, $0xb8;
	[tilespmem:$0x1B7D0] =	vst v63  }
0x5c: {  	_ =	swait.ge [sflag:s18], $0x2000  }
0x5d: {  	[sflag:s18] =	ssyncset.done $0x0  }
0x5e: {  	[sflag:s18] =	ssyncadd.s32 $0xFFFFE000  }
.LBB2_10:
0x5f: {  	_ =	sfence.sel $0x180000  }
0x60: {  	[bflag:$0x0] =	sbarrier.arrive $0xFFFF  }
0x61: {  	p0 =	sne.s32 s2, $0x0;
	_ =	strace $0x9000004A  }
0x62: {  	s0 =	sadd.s32 @!p0 $0x100000, s0;
	[bflag:$0x2] =	sbarrier.arrive $0xFFFF  }
0x63: {  	[sflag:s0] =	ssyncadd.tile.s32 @!p0 $0x1;
	_ =	shalt  }
.Lfunc_end2:
_tile_overlayer_lowered:
.L_overlay_start_2:
0x64: {  	(tag) =	ssettag $0x2  }
0x65: {  	s0 =	rddreg [dreg:$0x0];
	s2 =	stileid.u32  }
0x66: {  	s1 =	rddreg [dreg:$0x1];
	p0 =	sne.s32 s2, $0x0  }
0x67: {  	s3 =	rddreg [dreg:$0x2];
	[bflag:$0x3] =	sbarrier.arrive $0xFFFF;
	s2 =	simm.s32 @!p0 $0x1C02  }
0x68: {  	[timem:s3], [sflag:s2] =	dma.local @!p0 [hbm:s0], s1  }
0x69: {  	s0 =	simm.s32 @!p0 $0x2  }
0x6a: {  	_ =	swait.ge @!p0 [sflag:s0], s1  }
0x6b: {  	s1 =	ssub.s32 @!p0 $0x0, s1;
	[sflag:s0] =	ssyncset.done @!p0 $0x0  }
0x6c: {  	[sflag:s0] =	ssyncadd.s32 @!p0 s1  }
0x6d: {  	[bflag:$0x3] =	sbarrier.arrive $0xFFFF  }
0x6e: {  	_ =	shalt  }

// kernel: kernel.16.cloned.1.call-start
scs
__scs_entry_jumppad:
0x0: {  	(pc) =	sbr.rel $0x88, $3  }
0x1: {  	(tag) =	ssettag $0x0;
	lr =	simm.s32 $0x1  }
0x2: {  	[smem:$0x3F86] =	sst lr;
	_ =	strace $0xD0000000  }
0x3: {  	_ = 	snop  }
0x4: {  	_ = 	snop  }
0x5: {  	_ = 	snop  }
0x6: {  	_ = 	snop  }
0x7: {  	_ = 	snop  }
__scs_overlays_trampoline_lowered:
0x8: {  	[smem:$0x3F95] =	sst s0  }
0x9: {  	[smem:$0x3F96] =	sst s1  }
0xa: {  	[smem:$0x3F97] =	sst s2  }
0xb: {  	[smem:$0x3F98] =	sst s3  }
0xc: {  	[smem:$0x3F99] =	sst s4  }
0xd: {  	[smem:$0x3F9A] =	sst s5  }
0xe: {  	[smem:$0x3F9B] =	sst s6  }
0xf: {  	[smem:$0x3F9C] =	sst s7  }
0x10: {  	[smem:$0x3F9D] =	sst s8  }
0x11: {  	[smem:$0x3F9E] =	sst s9;
	s0 =	simm.s32 @!p0 $0x0  }
0x12: {  	s1 =	sld [smem:$0x3F84];
	s0 =	simm.s32 @p0 $0x1  }
0x13: {  	[smem:$0x3F9F] =	sst s0;
	s0 =	simm.s32 @!p1 $0x0  }
0x14: {  	s2 =	sld [smem:$0x3F83];
	s0 =	simm.s32 @p1 $0x1  }
0x15: {  	[smem:$0x3FA0] =	sst s0;
	s0 =	simm.s32 @!p2 $0x0  }
0x16: {  	s3 =	sld [smem:$0x3FDB];
	s0 =	simm.s32 @p2 $0x1  }
0x17: {  	s4 =	simm.s32 $0x1BF5;
	[smem:$0x3FA2] =	sst s0  }
0x18: {  	s0 =	sld [smem:$0x3F85];
	_ =	swait.ge [sflag:s4], $0x0  }
0x19: {  	s7 =	sld [smem:$0x3F86]  }
0x1a: {  	s8 =	sadd.s32 $0xFFFFE003, lr  }
0x1b: {  	s9 =	sadd.s32 $0xFFFFFEF7, lr;
	s5 =	simm.s32 $0xFFFFFFFF;
	p2 =	slt.u32 s8, $0xFFFFF086  }
0x1c: {  	p1 =	slt.u32 s9, $0xF7A;
	s5 =	simm.s32 @!p2 $0x0  }
0x1d: {  	s5 =	simm.s32 @p1 $0x1;
	p0 =	seq.s32 s7, s2  }
0x1e: {  	s7 =	smul.u32 @!p0 $0xF7A, s2;
	p2 =	seq.s32 @!p0 s5, $0x0  }
0x1f: {  	s9 =	smul.u32 $0xF7A, s1;
	s8 =	simm.s32 @!p0 $0x1BF5;
	p2 =	por !p2, p0  }
0x20: {  	[sflag:s8] =	ssyncset.s32 @!p0 $0xFFFFF086;
	s6 =	sadd.s32 @!p0 s3, s7;
	s7 =	simm.s32 @!p0 $0x108  }
0x21: {  	s3 =	sadd.s32 s3, s9;
	s6 =	sadd.s32 @!p0 $0x88, s6;
	s7 =	simm.s32 @p2 $0x1082  }
0x22: {  	[simem:s7], [sflag:s8] =	dma.local @!p0 [hbm:s6], $0xF7A  }
0x23: {  	s9 =	sor.u32 $0xD0000000, s2;
	s6 =	simm.s32 $0x108;
	_ =	swait.ge @!p0 [sflag:s8], $0x0  }
0x24: {  	s3 =	sadd.s32 $0x88, s3;
	s6 =	simm.s32 @!p1 $0x1082;
	[sflag:s4] =	ssyncset.s32 $0xFFFFF086  }
0x25: {  	[simem:s6], [sflag:s4] =	dma.local [hbm:s3], $0xF7A  }
0x26: {  	[smem:$0x3F86] =	sst s1;
	(tag) =	ssettag s2;
	_ =	strace s9  }
0x27: {  	s1 =	sld [smem:$0x3F96]  }
0x28: {  	s2 =	sld [smem:$0x3F97]  }
0x29: {  	s4 =	sld [smem:$0x3F99]  }
0x2a: {  	p0 =	seq.s32 s5, $0x0;
	s5 =	sld [smem:$0x3F9A]  }
0x2b: {  	s6 =	sld [smem:$0x3F9B]  }
0x2c: {  	s7 =	sld [smem:$0x3F9C]  }
0x2d: {  	s3 =	simm.s32 $0x108;
	s8 =	sld [smem:$0x3F9D]  }
0x2e: {  	s3 =	simm.s32 @!p0 $0x1082;
	s9 =	sld [smem:$0x3F9E]  }
0x2f: {  	lr =	sadd.s32 s0, s3;
	s0 =	sld [smem:$0x3F95]  }
0x30: {  	s3 =	sld [smem:$0x3F98]  }
0x31: {  	[smem:$0x3FA1] =	sst s10  }
0x32: {  	s10 =	sld [smem:$0x3F9F];
	_ =	sdelay $0x3  }
0x33: {  	p0 =	seq.s32 s10, $0x1;
	s10 =	sld [smem:$0x3FA1];
	_ =	sdelay $0x3  }
0x34: {  	[smem:$0x3FA1] =	sst s10  }
0x35: {  	s10 =	sld [smem:$0x3FA0];
	_ =	sdelay $0x3  }
0x36: {  	p1 =	seq.s32 s10, $0x1;
	s10 =	sld [smem:$0x3FA1];
	_ =	sdelay $0x3  }
0x37: {  	[smem:$0x3FA1] =	sst s10  }
0x38: {  	s10 =	sld [smem:$0x3FA2]  }
0x39: {  	_ = 	snop;
	(pc) =	sbr.ind lr, $3  }
0x3a: {  	_ = 	snop  }
0x3b: {  	_ = 	snop  }
0x3c: {  	p2 =	seq.s32 s10, $0x1;
	s10 =	sld [smem:$0x3FA1]  }
0x3d: {  	_ =	shalt  }
0x3e: {  	_ =	shalt  }
0x3f: {  	_ =	shalt  }
0x40: {  	_ =	shalt  }
0x41: {  	_ =	shalt  }
0x42: {  	_ =	shalt  }
0x43: {  	_ =	shalt  }
0x44: {  	_ =	shalt  }
0x45: {  	_ =	shalt  }
0x46: {  	_ =	shalt  }
0x47: {  	_ =	shalt  }
0x48: {  	_ =	shalt  }
0x49: {  	_ =	shalt  }
0x4a: {  	_ =	shalt  }
0x4b: {  	_ =	shalt  }
0x4c: {  	_ =	shalt  }
0x4d: {  	_ =	shalt  }
0x4e: {  	_ =	shalt  }
0x4f: {  	_ =	shalt  }
0x50: {  	_ =	shalt  }
0x51: {  	_ =	shalt  }
0x52: {  	_ =	shalt  }
0x53: {  	_ =	shalt  }
0x54: {  	_ =	shalt  }
0x55: {  	_ =	shalt  }
0x56: {  	_ =	shalt  }
0x57: {  	_ =	shalt  }
0x58: {  	_ =	shalt  }
0x59: {  	_ =	shalt  }
0x5a: {  	_ =	shalt  }
0x5b: {  	_ =	shalt  }
0x5c: {  	_ =	shalt  }
0x5d: {  	_ =	shalt  }
0x5e: {  	_ =	shalt  }
0x5f: {  	_ =	shalt  }
0x60: {  	_ =	shalt  }
0x61: {  	_ =	shalt  }
0x62: {  	_ =	shalt  }
0x63: {  	_ =	shalt  }
0x64: {  	_ =	shalt  }
0x65: {  	_ =	shalt  }
0x66: {  	_ =	shalt  }
0x67: {  	_ =	shalt  }
0x68: {  	_ =	shalt  }
0x69: {  	_ =	shalt  }
0x6a: {  	_ =	shalt  }
0x6b: {  	_ =	shalt  }
0x6c: {  	_ =	shalt  }
0x6d: {  	_ =	shalt  }
0x6e: {  	_ =	shalt  }
0x6f: {  	_ =	shalt  }
0x70: {  	_ =	shalt  }
0x71: {  	_ =	shalt  }
0x72: {  	_ =	shalt  }
0x73: {  	_ =	shalt  }
0x74: {  	_ =	shalt  }
0x75: {  	_ =	shalt  }
0x76: {  	_ =	shalt  }
0x77: {  	_ =	shalt  }
0x78: {  	_ =	shalt  }
0x79: {  	_ =	shalt  }
0x7a: {  	_ =	shalt  }
0x7b: {  	_ =	shalt  }
0x7c: {  	_ =	shalt  }
0x7d: {  	_ =	shalt  }
0x7e: {  	_ =	shalt  }
0x7f: {  	_ =	shalt  }
0x80: {  	_ =	shalt  }
0x81: {  	_ =	shalt  }
0x82: {  	_ =	shalt  }
0x83: {  	_ =	shalt  }
0x84: {  	_ =	shalt  }
0x85: {  	_ =	shalt  }
0x86: {  	_ =	shalt  }
0x87: {  	_ =	shalt  }
.Lfunc_end0:
.L_simem_size_0:
called_computation.2_lowered:
.L_overlay_start_0:
0x88: {  	s2 =	sld [smem:$0x3FD9]  }
0x89: {  	s3 =	sld [smem:$0x3FFE];
	_ =	sdelay $0x1  }
0x8a: {  	s1 =	srdreg.scid  }
0x8b: {  	s0 =	sand.u32 $0x1, s1  }
0x8c: {  	s16 =	sshll.u32 s0, $0xA;
	s2 =	sadd.s32 s3, s2  }
0x8d: {  	s2 =	sadd.s32 s2, s16  }
0x8e: {  	[smem:$0x3FAD] =	sst s2  }
0x8f: {  	_ = 	snop  }
0x90: {  	(tm) =	ssettm $0x1  }
0x91: {  	s17 =	sld [smem:$0x3FFB];
	_ =	sdelay $0x3  }
0x92: {  	_ =	strace s17  }
0x93: {  	s2 =	sld [smem:$0x3FFC];
	_ =	sdelay $0x3  }
0x94: {  	_ =	strace s2  }
0x95: {  	s2 =	sld [smem:$0x3FFD];
	_ =	sdelay $0x3  }
0x96: {  	_ =	strace s2  }
0x97: {  	_ =	strace $0x8FFFFFFF  }
0x98: {  	s18 =	sld [smem:$0x3FDB];
	_ =	sdelay $0x1  }
0x99: {  	s19 =	simm.s32 $_scs_section_size  }
0x9a: {  	s4 =	simm.s32 $_size__tile_overlayer_lowered;
	s5 =	simm.s32 $_tile_overlayer_lowered  }
0x9b: {  	s22 =	simm.s32 $0x1BFF;
	s21 =	sshll.u32 s5, $0x1;
	s2 =	sadd.s32 s19, s18  }
0x9c: {  	s6 =	simm.s32 $0x0;
	s20 =	sshll.u32 s4, $0x1;
	s4 =	sadd.s32 s21, s2  }
0x9d: {  	[timem:s6], [sflag:s22] =	dma.local [hbm:s4], s20  }
0x9e: {  	_ =	swait.ge [sflag:s22], s20  }
0x9f: {  	s3 =	ssub.s32 $0x0, s20;
	[sflag:s22] =	ssyncset.done $0x0  }
0xa0: {  	[sflag:s22] =	ssyncadd.s32 s3;
	_ =	sdelay $0x1  }
0xa1: {  	s23 =	simm.s32 $0x1B8B  }
0xa2: {  	_ =	swait.ge [sflag:s23], $0x1  }
0xa3: {  	[sflag:s23] =	ssyncset.done $0x0  }
0xa4: {  	s25 =	simm.s32 $0x1B8E;
	s24 =	sld [smem:$0x3FFE];
	[sflag:s23] =	ssyncadd.s32 $0xFFFFFFFF  }
0xa5: {  	s26 =	simm.s32 $execute0_lowered;
	[smem:$0x3FD2] =	sst s25  }
0xa6: {  	s4 =	sshll.u32 s26, $0x1;
	_ =	strace $0x8000004C;
	[dreg:$0x1] =	wrdreg $0xFFFFFFFF  }
0xa7: {  	s28 =	simm.s32 $_size_execute0_lowered;
	s2 =	sadd.s32 s2, s4;
	[dreg:$0x0] =	wrdreg $0x0  }
0xa8: {  	s4 =	sshll.u32 s28, $0x1;
	[dreg:$0x2] =	wrdreg s2  }
0xa9: {  	[dreg:$0x3] =	wrdreg s4  }
0xaa: {  	[dreg:$0x4] =	wrdreg $0xC0  }
0xab: {  	_ =	task [dreg:s6], $0x5FFFF  }
0xac: {  	[dreg:$0x1] =	wrdreg $0xFFFFFFFF  }
0xad: {  	[dreg:$0x0] =	wrdreg $0x60  }
0xae: {  	[dreg:$0x2] =	wrdreg s24  }
0xaf: {  	[dreg:$0x3] =	wrdreg $0x11B900  }
0xb0: {  	[dreg:$0x4] =	wrdreg $0x9  }
0xb1: {  	_ =	task.clear_ibuf [dreg:s6], $0x5FFFF;
	_ =	strace $0x9000004C  }
0xb2: {  	s29 =	simm.s32 $0x9;
	_ =	strace $0x8000004E  }
0xb3: {  	_ =	swait.ge [sflag:s29], $0x1  }
0xb4: {  	[sflag:s29] =	ssyncadd.s32 $0xFFFFFFFF  }
0xb5: {  	_ =	strace $0x9000004E  }
0xb6: {  	_ =	sfence  }
0xb7: {  	s30 =	sld [smem:$0x0];
	_ =	sdelay $0x2  }
0xb8: {  	s31 =	sshll.u32 s1, $0xD;
	s1 =	sshrl.u32 s1, $0x2  }
0xb9: {  	s3 =	sand.u32 $0x4000, s31;
	s1 =	sadd.s32 s1, s30  }
0xba: {  	s0 =	sor.u32 s3, s0;
	s1 =	sshll.u32 s1, $0x11  }
0xbb: {  	s0 =	sor.u32 s1, s0  }
0xbc: {  	s0 =	sadd.s32 $0x8F2B, s0  }
0xbd: {  	[sflag:s0] =	ssyncadd.remote.s32 $0x1  }
0xbe: {  	_ =	sfence.sel $0xFFFF  }
0xbf: {  	[dreg:$0x0] =	wrdreg $0xFFFFFFFF;
	(pc) =	sbr.abs _section_cstart, $3  }
0xc0: {  	[dreg:$0x1] =	wrdreg $0xFFFFFFFF  }
0xc1: {  	_ =	task.clear_ibuf [dreg:s6], $0x2FFFF;
	_ =	strace $0x9FFFFFFF  }
0xc2: {  	(tm) =	ssettm $0x7FFFFFFF  }
0xc3: {  	_ =	shalt  }
tec
execute0_lowered:
.L_overlay_start_1:
0x0: {  	(tag) =	ssettag $0x1  }
0x1: {  	s9 =	rddreg [dreg:$0x0]  }
0x2: {  	s1 =	rddreg [dreg:$0x1]  }
0x3: {  	s0 =	rddreg [dreg:$0x2];
	s3 =	simm.s32 $0x0  }
0x4: {  	s2 =	srdreg.scid;
	s14 =	simm.s32 $0x80;
	s15 =	simm.s32 $0x100  }
0x5: {  	s16 =	simm.s32 $0x190;
	s17 =	simm.s32 $0x1;
	s4 =	sand.u32 $0x1, s2  }
0x6: {  	s18 =	simm.s32 $0x2;
	s2 =	stileid.u32;
	s10 =	smul.u32 $0x13880, s4  }
0x7: {  	[smem:$0x7FF] =	sst s3;
	s5 =	sadd.s32 $0x16A00, s9;
	s11 =	smul.u32 $0x1F40, s2  }
0x8: {  	s6 =	sadd.s32 $0xCC00, s9;
	s7 =	sadd.s32 $0x2E00, s9;
	s12 =	smul.u32 $0x3E800, s2  }
.Ltmp0:
0x9: {  	s8 =	sadd.s32 $0x2A400, s9;
	s28 =	ssub.s32 $0x2, s4;
	(pc) =	sbr.rel .LBB2_1-.Ltmp0, $4  }
0xa: {  	_ =	strace $0x8000004D;
	p0 =	sgt.u32 s2, $0x9;
	s29 =	sshrl.u32 s28, $0x1  }
0xb: {  	s10 =	sadd.s32 s11, s10;
	s30 =	sshrl.u32 s12, $0x2;
	s31 =	ssub.s32 s28, s29  }
0xc: {  	s13 =	sadd.s32 s10, s9;
	s9 =	sshll.u32 s2, $0x1;
	s10 =	sadd.s32 s30, s1  }
0xd: {  	v0 =	vimm.f32 $0.0e+00;
	s12 =	smax.u32 s31, $0x1;
	s11 =	sadd.s32 $0x34200, s13;
	s13 =	simm.s32 $0x3  }
.LBB2_9:
0xe: {  	[bflag:$0x0] =	sbarrier.arrive $0xFFFF;
	s19 =	simm.s32 @!p0 $0x2190;
	s20 =	simm.s32 @!p0 $0x2  }
0xf: {  	[tilespmem:s19], [sflag:$0x2] =	stream.linear.gather @!p0 [spmem:s10], $0xFA00, $0x38;
	[tilespmem:$0x1B7D0] =	vst v63  }
0x10: {  	s3 =	sadd.s32 $0x1, s3;
	_ =	swait.ge @!p0 [sflag:s20], $0xFA00  }
0x11: {  	p1 =	sne.s32 s3, s12;
	[sflag:s20] =	ssyncset.done @!p0 $0x0  }
.Ltmp1:
0x12: {  	s21 =	simm.s32 @!p0 $0x0;
	[sflag:s20] =	ssyncadd.s32 @!p0 $0xFFFF0600;
	(pc) =	sbr.rel @!p1 .LBB2_10-.Ltmp1, $4  }
0x13: {  	[hbm4b:s11+s21] =	stream.linear.scatter @!p0 [tilespmem:s19], [sflag:$0x2], $0xFA00, $0x38;
	[tilespmem:$0x1B7D0] =	vst v63  }
0x14: {  	_ =	swait.ge @!p0 [sflag:s20], $0xFA00  }
0x15: {  	[sflag:s20] =	ssyncset.done @!p0 $0x0  }
0x16: {  	[sflag:s20] =	ssyncadd.s32 @!p0 $0xFFFF0600  }
.LBB2_1:
0x17: {  	s20 =	simm.s32 $0x100;
	s19 =	simm.s32 $0x0  }
.LBB2_2:
0x18: {  	p1 =	sne.s32 s20, $0x3E700;
	[tilespmem:s19+$0x21C0] =	vst v0;
	s21 =	smov.u32 s20;
	s20 =	sadd.s32 $0x100, s20  }
.Ltmp2:
0x19: {  	[tilespmem:s19+$0x21B0] =	vst v0;
	(pc) =	sbr.rel @p1 .LBB2_2-.Ltmp2, $3  }
0x1a: {  	[tilespmem:s19+$0x2190] =	vst v0  }
0x1b: {  	[tilespmem:s19+$0x21A0] =	vst v0;
	_ =	sdelay $0x1  }
0x1c: {  	s19 =	sshra.s32 s21, $0x2  }
0x1d: {  	[tilespmem:s19+$0x21C0] =	vst v0  }
0x1e: {  	[tilespmem:s19+$0x21B0] =	vst v0  }
0x1f: {  	[tilespmem:s19+$0x2190] =	vst v0  }
0x20: {  	[tilespmem:s19+$0x21A0] =	vst v0;
	s19 =	simm.s32 @!p0 $0x2190  }
0x21: {  	[spmem:s10] =	stream.linear.scatter @!p0 [tilespmem:s19], [sflag:$0x2], $0xFA00, $0x38;
	[tilespmem:$0x1B7D0] =	vst v63  }
0x22: {  	s19 =	simm.s32 @!p0 $0x2  }
.Ltmp3:
0x23: {  	_ =	swait.ge @!p0 [sflag:s19], $0xFA00;
	(pc) =	sbr.rel .LBB2_4-.Ltmp3, $4  }
0x24: {  	[sflag:s19] =	ssyncset.done @!p0 $0x0  }
0x25: {  	[sflag:s19] =	ssyncadd.s32 @!p0 $0xFFFF0600  }
0x26: {  	[bflag:$0x0] =	sbarrier.arrive $0xFFFF  }
0x27: {  	s19 =	simm.s32 $0x0  }
.LBB2_8:
0x28: {  	s19 =	sadd.s32 $0x1, s19  }
0x29: {  	p1 =	sne.s32 s19, $0x4F  }
.Ltmp4:
0x2a: {  	_ = 	snop;
	(pc) =	sbr.rel @!p1 .LBB2_9-.Ltmp4, $1  }
0x2b: {  	_ =	sdelay $0x3  }
.LBB2_4:
0x2c: {  	s20 =	sshll.u32 s19, $0x5  }
0x2d: {  	s20 =	sor.u32 s9, s20  }
0x2e: {  	p1 =	sgt.u32 s20, $0x9C3  }
.Ltmp5:
0x2f: {  	_ = 	snop;
	(pc) =	sbr.rel @p1 .LBB2_8-.Ltmp5, $1  }
0x30: {  	_ =	sdelay $0x3  }
0x31: {  	s20 =	sor.u32 s4, s20  }
0x32: {  	s20 =	sshll.u32 s20, $0x4  }
0x33: {  	s22 =	simm.s32 $0x0;
	s21 =	sadd.s32 s6, s20  }
0x34: {  	[tilespmem:s22], [sflag:$0x3] =	stream.linear.gather [hbm4b:s21+s22], $0x80, $0x38;
	[tilespmem:$0x1B7D0] =	vst v63  }
0x35: {  	_ =	swait.ge [sflag:s13], $0x80  }
0x36: {  	[sflag:s13] =	ssyncset.done $0x0  }
0x37: {  	s30 =	sadd.s32 s7, s20;
	[sflag:s13] =	ssyncadd.s32 $0xFFFFFF80  }
0x38: {  	[tilespmem:s14], [sflag:$0x3] =	stream.linear.gather [hbm4b:s30+s22], $0x80, $0x38;
	[tilespmem:$0x1B7D0] =	vst v63  }
0x39: {  	_ =	swait.ge [sflag:s13], $0x80  }
0x3a: {  	[sflag:s13] =	ssyncset.done $0x0  }
0x3b: {  	s20 =	sadd.s32 s8, s20;
	[sflag:s13] =	ssyncadd.s32 $0xFFFFFF80  }
0x3c: {  	[tilespmem:s15], [sflag:$0x3] =	stream.linear.gather [hbm4b:s20+s22], $0x80, $0x38;
	[tilespmem:$0x1B7D0] =	vst v63  }
0x3d: {  	_ =	swait.ge [sflag:s13], $0x80  }
0x3e: {  	[sflag:s13] =	ssyncset.done $0x0  }
0x3f: {  	[sflag:s13] =	ssyncadd.s32 $0xFFFFFF80  }
0x40: {  	[tilespmem:s16], [sflag:$0x1] =	stream.indirect.gather [hbm4b:s5+s14], $0x40, s22, s14, $0xb8;
	[tilespmem:$0x1B7D0] =	vst v63  }
0x41: {  	_ =	swait.ge [sflag:s17], $0x2000  }
0x42: {  	[sflag:s17] =	ssyncset.done $0x0  }
0x43: {  	s20 =	simm.s32 $0x1B0;
	[sflag:s17] =	ssyncadd.s32 $0xFFFFE000  }
0x44: {  	v1 =	vld [tilespmem:s20+$0xFFFFFFF0]  }
0x45: {  	s31 =	simm.s32 $0x0;
	v3 =	vld [tilespmem:s20+$0x10]  }
0x46: {  	v5 =	vld.msk [tilespmem:s31+$0x100 ss:$0x0], $0xffff  }
0x47: {  	v2 =	vld [tilespmem:s20+$0xFFFFFFE0]  }
0x48: {  	v6 =	vld [tilespmem:s20+$0x0];
	_ =	sdelay $0x3  }
0x49: {  	v2 =	vmul.f32 v5, v2;
	v4 =	vmul.f32 v3, v5  }
0x4a: {  	s21 =	simm.s32 $0x4;
	s22 =	simm.s32 $0x1B0;
	v3 =	vmul.f32 v1, v5;
	v1 =	vmul.f32 v6, v5  }
.LBB2_6:
0x4b: {  	p1 =	sne.s32 s21, $0x1FC  }
0x4c: {  	[tilespmem:s20+$0x10] =	vst v4;
	s22 =	sadd.s32 $0x40, s22;
	s23 =	smov.u32 s21;
	s21 =	sadd.s32 $0x4, s21  }
0x4d: {  	[tilespmem:s20+$0xFFFFFFE0] =	vst v2  }
0x4e: {  	v5 =	vld [tilespmem:s22+$0xFFFFFFF0];
	[tilespmem:s20+$0xFFFFFFF0] =	vst v3  }
0x4f: {  	s23 =	sshra.s32 s23, $0x2;
	v3 =	vld [tilespmem:s22+$0x10];
	[tilespmem:s20+$0x0] =	vst v1;
	s20 =	smov.u32 s22  }
0x50: {  	v1 =	vld.msk [tilespmem:s23+$0x100 ss:$0x0], $0xffff  }
0x51: {  	v2 =	vld [tilespmem:s22+$0xFFFFFFE0]  }
0x52: {  	v6 =	vld [tilespmem:s22+$0x0]  }
.Ltmp6:
0x53: {  	(pc) =	sbr.rel @p1 .LBB2_6-.Ltmp6, $3  }
0x54: {  	_ =	sdelay $0x1  }
0x55: {  	v4 =	vmul.f32 v3, v1;
	v2 =	vmul.f32 v1, v2  }
0x56: {  	v3 =	vmul.f32 v5, v1;
	v1 =	vmul.f32 v6, v1  }
0x57: {  	[tilespmem:s20+$0x10] =	vst v4  }
0x58: {  	[tilespmem:s20+$0xFFFFFFE0] =	vst v2  }
0x59: {  	[tilespmem:s20+$0xFFFFFFF0] =	vst v3  }
.Ltmp7:
0x5a: {  	[tilespmem:s20+$0x0] =	vst v1;
	(pc) =	sbr.rel .LBB2_8-.Ltmp7, $4  }
0x5b: {  	[spmem:s1] =	stream.indirect.scatter.add.f32 [tilespmem:s16], [sflag:$0x2], $0x40, s14, s14, $0xb8;
	[tilespmem:$0x1B7D0] =	vst v63  }
0x5c: {  	_ =	swait.ge [sflag:s18], $0x2000  }
0x5d: {  	[sflag:s18] =	ssyncset.done $0x0  }
0x5e: {  	[sflag:s18] =	ssyncadd.s32 $0xFFFFE000  }
.LBB2_10:
0x5f: {  	_ =	sfence.sel $0x180000  }
0x60: {  	[bflag:$0x0] =	sbarrier.arrive $0xFFFF  }
0x61: {  	p0 =	sne.s32 s2, $0x0;
	_ =	strace $0x9000004D  }
0x62: {  	s0 =	sadd.s32 @!p0 $0x100000, s0;
	[bflag:$0x2] =	sbarrier.arrive $0xFFFF  }
0x63: {  	[sflag:s0] =	ssyncadd.tile.s32 @!p0 $0x1;
	_ =	shalt  }
.Lfunc_end2:
_tile_overlayer_lowered:
.L_overlay_start_2:
0x64: {  	(tag) =	ssettag $0x2  }
0x65: {  	s0 =	rddreg [dreg:$0x0];
	s2 =	stileid.u32  }
0x66: {  	s1 =	rddreg [dreg:$0x1];
	p0 =	sne.s32 s2, $0x0  }
0x67: {  	s3 =	rddreg [dreg:$0x2];
	[bflag:$0x3] =	sbarrier.arrive $0xFFFF;
	s2 =	simm.s32 @!p0 $0x1C02  }
0x68: {  	[timem:s3], [sflag:s2] =	dma.local @!p0 [hbm:s0], s1  }
0x69: {  	s0 =	simm.s32 @!p0 $0x2  }
0x6a: {  	_ =	swait.ge @!p0 [sflag:s0], s1  }
0x6b: {  	s1 =	ssub.s32 @!p0 $0x0, s1;
	[sflag:s0] =	ssyncset.done @!p0 $0x0  }
0x6c: {  	[sflag:s0] =	ssyncadd.s32 @!p0 s1  }
0x6d: {  	[bflag:$0x3] =	sbarrier.arrive $0xFFFF  }
0x6e: {  	_ =	shalt  }

</sc_bundles>
